<compile_context>
chip_gen: v7x
topology: tpu7x:2x2x1
jax: 0.10.2.dev20260603
libtpu: 0.0.44.dev20260713+nightly
codegen_flags: <defaults>
</compile_context>

<pallas_src>
import functools

import jax
import jax.numpy as jnp
from jax import lax
from jax.experimental import pallas as pl
from jax.experimental.pallas import tpu as pltpu
from jax.experimental.pallas import tpu_sc as plsc

BB = 320000
FF = 144
DD = 128

NC = 2
NS = 16
NW = NC * NS

_SC_MESH = dict(core_axis_name="c", subcore_axis_name="s")
_SC_PARAMS = pltpu.CompilerParams(needs_layout_passes=False)


def _wid():
    return lax.axis_index("s") * NC + lax.axis_index("c")


CSHIFT = 13
CHUNK = 1 << CSHIFT
NCHUNK = 40
NCP = 48
CAP = 8960
AK = 112
A_NBLK = 5
PB = 80
G_PER_W = BB // NW
P_NBLK = G_PER_W // PB


def _hist_body(src_hbm, counts_hbm, srcb, hist, counts_v, sem):
    del sem
    wid = _wid()
    i16 = lax.iota(jnp.int32, 16)
    zeros = jnp.zeros((16,), jnp.int32)
    ones = jnp.ones((16,), jnp.int32)
    for i in range(16 * NCP // 16):
        hist[pl.ds(i * 16, 16)] = zeros

    stripe0 = wid * G_PER_W

    def blk(bi, carry):
        pltpu.sync_copy(src_hbm.at[pl.ds(stripe0 + bi * 2000, 2000)], srcb)

        def vec(v, c2):
            p = srcb[pl.ds(v * 16, 16)]
            c = p >> CSHIFT
            plsc.addupdate_scatter(hist, [i16 * NCP + c], ones)
            return c2

        lax.fori_loop(0, 125, vec, 0)
        return carry

    lax.fori_loop(0, 5, blk, 0)

    for cb in range(NCP // 16):
        acc = jnp.zeros((16,), jnp.int32)
        for l in range(16):
            acc = acc + hist[pl.ds(l * NCP + cb * 16, 16)]
        counts_v[pl.ds(cb * 16, 16)] = acc
    pltpu.sync_copy(counts_v, counts_hbm.at[pl.ds(wid * NCP, NCP)])


@jax.jit
def _sc_hist(src_idx):
    return pl.kernel(
        _hist_body,
        out_type=jax.ShapeDtypeStruct((NW * NCP,), jnp.int32),
        mesh=plsc.VectorSubcoreMesh(**_SC_MESH),
        compiler_params=_SC_PARAMS,
        scratch_types=[
            pltpu.VMEM((2000,), jnp.int32),
            pltpu.VMEM((16 * NCP,), jnp.int32),
            pltpu.VMEM((NCP,), jnp.int32),
            pltpu.SemaphoreType.DMA,
        ],
    )(src_idx)


def _perm_blk_compute(v, base, srcb, neib, cntref, posb, valb, dstvb, neivb,
                      shbuf, i16):
    p = srcb[pl.ds(v * 16, 16)]
    c = p >> CSHIFT
    ck, lane = plsc.sort_key_val(c, i16)
    shbuf[pl.ds(0, 16)] = ck
    shbuf[pl.ds(1, 16)] = ck
    prev = shbuf[pl.ds(0, 16)]
    shbuf[pl.ds(40, 16)] = ck
    nxt = shbuf[pl.ds(41, 16)]
    change = jnp.not_equal(ck, prev)
    start = plsc.cummax(jnp.where(change, i16, jnp.zeros((16,), jnp.int32)))
    rank = i16 - start
    prior = plsc.load_gather(cntref, [ck])
    pos = prior + rank
    plsc.store_scatter(cntref, [ck], pos + 1, mask=jnp.not_equal(ck, nxt))
    ps = plsc.load_gather(srcb, [lane + v * 16])
    pn = plsc.load_gather(neib, [lane + v * 16])
    posb[pl.ds(v * 16, 16)] = pos
    valb[pl.ds(v * 16, 16)] = base + v * 16 + lane
    dstvb[pl.ds(v * 16, 16)] = ps & (CHUNK - 1)
    neivb[pl.ds(v * 16, 16)] = pn


def _perm_body(src_hbm, nei_hbm, counts_hbm, perm_hbm, dst_hbm, neio_hbm,
               countsb, cntref, srcb0, srcb1, neib0, neib1, posb0, posb1,
               valb0, valb1, dstvb0, dstvb1, neivb0, neivb1, shbuf,
               semi0, semi1, semo0, semo1):
    del srcb1, neib1, posb1, valb1, dstvb1, neivb1
    wid = _wid()
    i16 = lax.iota(jnp.int32, 16)
    pltpu.sync_copy(counts_hbm, countsb)
    shbuf[pl.ds(56, 16)] = jnp.full((16,), -1, jnp.int32)

    for cb in range(NCP // 16):
        def acc_body(w, a):
            return a + countsb[pl.ds(w * NCP + cb * 16, 16)]

        pw = lax.fori_loop(0, wid, acc_body, jnp.zeros((16,), jnp.int32))
        cntref[pl.ds(cb * 16, 16)] = (i16 + cb * 16) * CAP + pw

    stripe0 = wid * G_PER_W

    def blk(bi, carry):
        base = stripe0 + bi * PB
        pltpu.sync_copy(src_hbm.at[pl.ds(base, PB)], srcb0)
        pltpu.sync_copy(nei_hbm.at[pl.ds(base, PB)], neib0)
        for v in range(PB // 16):
            _perm_blk_compute(v, base, srcb0, neib0, cntref, posb0,
                              valb0, dstvb0, neivb0, shbuf, i16)
        cpa = pltpu.async_copy(valb0, perm_hbm.at[posb0], semo0)
        cpb = pltpu.async_copy(dstvb0, dst_hbm.at[posb0], semo1)
        cpc = pltpu.async_copy(neivb0, neio_hbm.at[posb0], semi0)
        cpa.wait()
        cpb.wait()
        cpc.wait()
        return carry

    lax.fori_loop(0, P_NBLK, blk, 0)


@jax.jit
def _sc_perm(src_idx, nei_idx, counts):
    osh = jax.ShapeDtypeStruct((NCHUNK * CAP,), jnp.int32)
    ib = pltpu.VMEM((PB,), jnp.int32)
    return pl.kernel(
        _perm_body,
        out_type=(osh, osh, osh),
        mesh=plsc.VectorSubcoreMesh(**_SC_MESH),
        compiler_params=_SC_PARAMS,
        scratch_types=[
            pltpu.VMEM((NW * NCP,), jnp.int32),
            pltpu.VMEM((NCP,), jnp.int32),
            ib, ib, ib, ib, ib, ib, ib, ib, ib, ib, ib, ib,
            pltpu.VMEM((72,), jnp.int32),
            pltpu.SemaphoreType.DMA,
            pltpu.SemaphoreType.DMA,
            pltpu.SemaphoreType.DMA,
            pltpu.SemaphoreType.DMA,
        ],
    )(src_idx, nei_idx, counts)


GK = 80
G_NBLK = G_PER_W // GK


def _gather_body(nei_hbm, mess_hbm, out_hbm, idx_v, rows_v, sem):
    base = _wid() * G_PER_W

    def body(j, carry):
        off = base + j * GK
        pltpu.sync_copy(nei_hbm.at[pl.ds(off, GK)], idx_v)
        pltpu.async_copy(mess_hbm.at[idx_v], rows_v, sem).wait()
        pltpu.sync_copy(rows_v, out_hbm.at[pl.ds(off, GK)])
        return carry

    lax.fori_loop(0, G_NBLK, body, 0)


@jax.jit
def _sc_gather(nei_idx, mess):
    return pl.kernel(
        _gather_body,
        out_type=jax.ShapeDtypeStruct((BB, DD), jnp.float32),
        mesh=plsc.VectorSubcoreMesh(**_SC_MESH),
        compiler_params=_SC_PARAMS,
        scratch_types=[
            pltpu.VMEM((GK,), jnp.int32),
            pltpu.VMEM((GK, DD), jnp.float32),
            pltpu.SemaphoreType.DMA,
        ],
    )(nei_idx, mess)


ACC_ROWS = 10240
CPS = NCHUNK // NC


def _lens_from_counts(countsb, lenbuf):
    for cb in range(NCP // 16):
        def acc_body(w, a):
            return a + countsb[pl.ds(w * NCP + cb * 16, 16)]

        lenbuf[pl.ds(cb * 16, 16)] = lax.fori_loop(
            0, NW, acc_body, jnp.zeros((16,), jnp.int32))


TW = A_NBLK * AK


def _accum_body(gidx_hbm, dst_hbm, counts_hbm, val_hbm, zero_hbm, out_hbm,
                countsb, lenbuf, gixb, dstraw,
                gb0, gb1, gb2, gb3, gb4, db0, db1, db2, db3, db4,
                rb0, rb1, rb2, acc, semg0, semg1, semg2, sema0, sema1, sema2,
                sem):
    ca = lax.axis_index("c")
    t = lax.axis_index("s")
    i16 = lax.iota(jnp.int32, 16)
    gb = (gb0, gb1, gb2, gb3, gb4)
    db = (db0, db1, db2, db3, db4)
    rb = (rb0, rb1, rb2)
    semg = (semg0, semg1, semg2)
    sema = (sema0, sema1, sema2)

    pltpu.sync_copy(counts_hbm, countsb)
    _lens_from_counts(countsb, lenbuf)

    def g_fire(k):
        return pltpu.async_copy(val_hbm.at[gb[k]], rb[k % 3], semg[k % 3])

    def a_fire(k):
        return pltpu.async_copy(rb[k % 3], acc.at[db[k]], sema[k % 3],
                                add=True)

    def chunk(i, carry):
        c = 2 * i + ca
        lv = lenbuf[pl.ds((c >> 4) * 16, 16)]
        len_c = jnp.sum(jnp.where(i16 == (c & 15), lv, 0))
        lim = c * CAP + len_c
        zh = [pltpu.async_copy(zero_hbm,
                               acc.at[pl.ds(t * 512 + z * 128, 128)], sem)
              for z in range(4)]
        for h in zh:
            h.wait()
        plsc.subcore_barrier()
        pos0 = c * CAP + t * TW
        cp1 = pltpu.async_copy(gidx_hbm.at[pl.ds(pos0, TW)], gixb, sem)
        cp2 = pltpu.async_copy(dst_hbm.at[pl.ds(pos0, TW)], dstraw, sem)
        cp1.wait()
        cp2.wait()

        for k in range(A_NBLK):
            for v in range(AK // 16):
                g = gixb[pl.ds(k * AK + v * 16, 16)]
                gb[k][pl.ds(v * 16, 16)] = jnp.minimum(
                    jnp.maximum(g, 0), BB - 1)
            for v in range(AK // 16):
                relpos = pos0 + k * AK + v * 16 + i16
                trash = CHUNK + ((t * 16 + i16) & 127)
                db[k][pl.ds(v * 16, 16)] = jnp.where(
                    relpos < lim, dstraw[pl.ds(k * AK + v * 16, 16)], trash)
        g = [None] * A_NBLK
        a = [None] * A_NBLK
        g[0] = g_fire(0)
        g[1] = g_fire(1)
        g[2] = g_fire(2)
        g[0].wait()
        a[0] = a_fire(0)
        g[1].wait()
        a[1] = a_fire(1)
        a[0].wait()
        g[3] = g_fire(3)
        g[2].wait()
        a[2] = a_fire(2)
        a[1].wait()
        g[4] = g_fire(4)
        g[3].wait()
        a[3] = a_fire(3)
        a[2].wait()
        g[4].wait()
        a[4] = a_fire(4)
        a[3].wait()
        a[4].wait()
        plsc.subcore_barrier()

        @pl.when(c * CHUNK + t * 512 < BB)
        def _flush():
            pltpu.sync_copy(acc.at[pl.ds(t * 512, 512)],
                            out_hbm.at[pl.ds(c * CHUNK + t * 512, 512)])

        plsc.subcore_barrier()
        return carry

    lax.fori_loop(0, CPS, chunk, 0)


def _make_accum():
    ib = pltpu.VMEM((AK,), jnp.int32)
    rbt = pltpu.VMEM((AK, DD), jnp.float32)

    @jax.jit
    def run(gidx, dstloc, counts, val):
        return pl.kernel(
            _accum_body,
            out_type=jax.ShapeDtypeStruct((BB, DD), jnp.float32),
            mesh=plsc.VectorSubcoreMesh(**_SC_MESH),
            compiler_params=_SC_PARAMS,
            scratch_types=[
                pltpu.VMEM((NW * NCP,), jnp.int32),
                pltpu.VMEM((NCP,), jnp.int32),
                pltpu.VMEM((TW,), jnp.int32),
                pltpu.VMEM((TW,), jnp.int32),
                ib, ib, ib, ib, ib,
                ib, ib, ib, ib, ib,
                rbt, rbt, rbt,
                pltpu.VMEM_SHARED((ACC_ROWS, DD), jnp.float32),
                pltpu.SemaphoreType.DMA,
                pltpu.SemaphoreType.DMA,
                pltpu.SemaphoreType.DMA,
                pltpu.SemaphoreType.DMA,
                pltpu.SemaphoreType.DMA,
                pltpu.SemaphoreType.DMA,
                pltpu.SemaphoreType.DMA,
            ],
        )(gidx, dstloc, counts, val, jnp.zeros((128, DD), jnp.float32))

    return run


_sc_accum_s = _make_accum()
_sc_accum_r = _make_accum()


ROWS_A = 2560
ROWS_B = 2560


def _a_body(hk_ref, mk_ref, wr1_ref, wr2_ref, br_ref, rm_ref):
    hk = hk_ref[...]
    mk = mk_ref[...]
    acc = (jnp.dot(hk, wr1_ref[...], preferred_element_type=jnp.float32)
           + jnp.dot(mk, wr2_ref[...], preferred_element_type=jnp.float32)
           + br_ref[...])
    rm_ref[...] = jax.nn.sigmoid(acc) * mk


def _dense_rm(h_ki, mess_ki, Wr_w, Wr_b):
    wr1 = Wr_w[:, :FF].T
    wr2 = Wr_w[:, FF:].T
    br = Wr_b.reshape(1, DD)
    nblk = BB // ROWS_A
    return pl.pallas_call(
        _a_body,
        grid=(nblk,),
        in_specs=[
            pl.BlockSpec((ROWS_A, FF), lambda i: (i, 0)),
            pl.BlockSpec((ROWS_A, DD), lambda i: (i, 0)),
            pl.BlockSpec((FF, DD), lambda i: (0, 0)),
            pl.BlockSpec((DD, DD), lambda i: (0, 0)),
            pl.BlockSpec((1, DD), lambda i: (0, 0)),
        ],
        out_specs=pl.BlockSpec((ROWS_A, DD), lambda i: (i, 0)),
        out_shape=jax.ShapeDtypeStruct((BB, DD), jnp.float32),
    )(h_ki, mess_ki, wr1, wr2, br)


def _b_body(h_ref, s_ref, r_ref, wz1_ref, wz2_ref, bz_ref, ww_ref, bw_ref,
            uw_ref, out_ref):
    h = h_ref[...]
    s = s_ref[...]
    r = r_ref[...]
    z = jax.nn.sigmoid(
        jnp.dot(h, wz1_ref[...], preferred_element_type=jnp.float32)
        + jnp.dot(s, wz2_ref[...], preferred_element_type=jnp.float32)
        + bz_ref[...])
    m = jnp.tanh(jnp.dot(h, ww_ref[...], preferred_element_type=jnp.float32)
                 + bw_ref[...]
                 + jnp.dot(r, uw_ref[...], preferred_element_type=jnp.float32))
    out_ref[...] = (1.0 - z) * s + z * m


def _dense_out(h_ij, s_ij, r_ij, Wz_w, Wz_b, U_w, W_w, W_b):
    wz1 = Wz_w[:, :FF].T
    wz2 = Wz_w[:, FF:].T
    bz = Wz_b.reshape(1, DD)
    ww = W_w.T
    bw = W_b.reshape(1, DD)
    uw = U_w.T
    nblk = BB // ROWS_B
    return pl.pallas_call(
        _b_body,
        grid=(nblk,),
        in_specs=[
            pl.BlockSpec((ROWS_B, FF), lambda i: (i, 0)),
            pl.BlockSpec((ROWS_B, DD), lambda i: (i, 0)),
            pl.BlockSpec((ROWS_B, DD), lambda i: (i, 0)),
            pl.BlockSpec((FF, DD), lambda i: (0, 0)),
            pl.BlockSpec((DD, DD), lambda i: (0, 0)),
            pl.BlockSpec((1, DD), lambda i: (0, 0)),
            pl.BlockSpec((FF, DD), lambda i: (0, 0)),
            pl.BlockSpec((1, DD), lambda i: (0, 0)),
            pl.BlockSpec((DD, DD), lambda i: (0, 0)),
        ],
        out_specs=pl.BlockSpec((ROWS_B, DD), lambda i: (i, 0)),
        out_shape=jax.ShapeDtypeStruct((BB, DD), jnp.float32),
    )(h_ij, s_ij, r_ij, wz1, wz2, bz, ww, bw, uw)


def kernel(h_ij, h_ki, mess, src_idx, nei_idx, Wz_w, Wz_b, Wr_w, Wr_b, U_w,
           W_w, W_b):
    counts = _sc_hist(src_idx)
    perm, dstloc, neio = _sc_perm(src_idx, nei_idx, counts)
    mess_ki = _sc_gather(nei_idx, mess)
    s_ij = _sc_accum_s(neio, dstloc, counts, mess)
    rm = _dense_rm(h_ki, mess_ki, Wr_w, Wr_b)
    r_ij = _sc_accum_r(perm, dstloc, counts, rm)
    return _dense_out(h_ij, s_ij, r_ij, Wz_w, Wz_b, U_w, W_w, W_b)

# --- scband reference (transcript-rebuilt; emitter-appended) ---
"""Pipeline reference for scband-dmpnn-layer-73151882985855 (READ-ONLY COPY).

The authoritative reference and input builder live on the scoring server;
editing this copy changes nothing except your own understanding.
"""

import jax, jax.numpy as jnp
import numpy as np

B = 320000
FN = 128
FB = 16
D = 128
F = FN + FB

def setup_inputs(seed: int = 0) -> dict:
    key = jax.random.key(seed)
    ks = jax.random.split(key, 12)
    h_ij = jax.random.normal(ks[0], (B, F), dtype=jnp.float32)
    h_ki = jax.random.normal(ks[1], (B, F), dtype=jnp.float32)
    mess = jax.random.normal(ks[2], (B, D), dtype=jnp.float32)
    src_idx = jax.random.randint(ks[3], (B,), 0, B, dtype=jnp.int32)
    nei_idx = jax.random.randint(ks[4], (B,), 0, B, dtype=jnp.int32)
    s1 = 1.0 / np.sqrt(F + D)
    Wz_w = jax.random.uniform(ks[5], (D, F + D), minval=-s1, maxval=s1, dtype=jnp.float32)
    Wz_b = jax.random.uniform(ks[6], (D,), minval=-s1, maxval=s1, dtype=jnp.float32)
    Wr_w = jax.random.uniform(ks[7], (D, F + D), minval=-s1, maxval=s1, dtype=jnp.float32)
    Wr_b = jax.random.uniform(ks[8], (D,), minval=-s1, maxval=s1, dtype=jnp.float32)
    s2 = 1.0 / np.sqrt(D)
    U_w = jax.random.uniform(ks[9], (D, D), minval=-s2, maxval=s2, dtype=jnp.float32)
    s3 = 1.0 / np.sqrt(F)
    W_w = jax.random.uniform(ks[10], (D, F), minval=-s3, maxval=s3, dtype=jnp.float32)
    W_b = jax.random.uniform(ks[11], (D,), minval=-s3, maxval=s3, dtype=jnp.float32)
    return {"h_ij": h_ij, "h_ki": h_ki, "mess": mess, "src_idx": src_idx, "nei_idx": nei_idx,
            "Wz_w": Wz_w, "Wz_b": Wz_b, "Wr_w": Wr_w, "Wr_b": Wr_b, "U_w": U_w, "W_w": W_w, "W_b": W_b}

def reference(h_ij, h_ki, mess, src_idx, nei_idx, Wz_w, Wz_b, Wr_w, Wr_b, U_w, W_w, W_b):
    bond_num = h_ij.shape[0]
    mess_ki = jnp.take(mess, nei_idx, axis=0)
    s_ij = jax.ops.segment_sum(mess_ki, src_idx, num_segments=bond_num)
    z_ij = jax.nn.sigmoid(jnp.concatenate([h_ij, s_ij], axis=-1) @ Wz_w.T + Wz_b)
    r_ki = jax.nn.sigmoid(jnp.concatenate([h_ki, mess_ki], axis=-1) @ Wr_w.T + Wr_b)
    r_ij = jax.ops.segment_sum(r_ki * mess_ki, src_idx, num_segments=bond_num)
    m_ij = jnp.tanh(h_ij @ W_w.T + W_b + r_ij @ U_w.T)
    new_mess = (1.0 - z_ij) * s_ij + z_ij * m_ij
    return new_mess

if __name__ == "__main__":
    import jax
    _d = setup_inputs()
    print(jax.jit(kernel)(*tuple(_d.values())))

</pallas_src>

<mosaic_0001>
#map = affine_map<(d0, d1) -> (0)>
module attributes {stable_mosaic.version = 14 : i64} {
  func.func @_hist_body(%arg0: i32, %arg1: i32, %arg2: memref<320000xi32, #tpu.memory_space<hbm>>, %arg3: memref<1536xi32, #tpu.memory_space<hbm>>, %arg4: memref<2000xi32, #tpu.memory_space<vmem>>, %arg5: memref<768xi32, #tpu.memory_space<vmem>>, %arg6: memref<48xi32, #tpu.memory_space<vmem>>, %arg7: memref<!tpu.dma_semaphore, #tpu.memory_space<semaphore_mem>>) attributes {dimension_semantics = [#tpu.dimension_semantics<core_parallel>, #tpu.dimension_semantics<subcore_parallel>], iteration_bounds = array<i64: 2, 16>, scalar_prefetch = 0 : i64, scratch_operands = 4 : i64, tpu.core_type = #tpu.core_type<sc_vector_subcore>, window_params = [{transform_indices = #map}, {transform_indices = #map}]} {
    %mul3A = arith.constant 2 : i32
    %mul3A_0 = arith.muli %arg1, %mul3A : i32
    %add3A = arith.addi %mul3A_0, %arg0 : i32
    %iota3A = tpu.iota {dimensions = array<i32: 0>} : vector<16xi32>
    %broadcast_in_dim3A = arith.constant 0 : i32
    %broadcast_in_dim3A_1 = vector.broadcast %broadcast_in_dim3A : i32 to vector<16xi32>
    %broadcast_in_dim3A_2 = arith.constant 1 : i32
    %broadcast_in_dim3A_3 = vector.broadcast %broadcast_in_dim3A_2 : i32 to vector<16xi32>
    %swap3A = arith.constant 0 : index
    %swap3A_4 = tpu.vector_load %arg5[%swap3A] {strides = array<i32>} : memref<768xi32, #tpu.memory_space<vmem>>, vector<16xi32>,
    tpu.vector_store %arg5[%swap3A], %broadcast_in_dim3A_1 {strides = array<i32>} : memref<768xi32, #tpu.memory_space<vmem>>, vector<16xi32>,
    %swap3A_5 = arith.constant 16 : index
    %swap3A_6 = tpu.vector_load %arg5[%swap3A_5] {strides = array<i32>} : memref<768xi32, #tpu.memory_space<vmem>>, vector<16xi32>,
    tpu.vector_store %arg5[%swap3A_5], %broadcast_in_dim3A_1 {strides = array<i32>} : memref<768xi32, #tpu.memory_space<vmem>>, vector<16xi32>,
    %swap3A_7 = arith.constant 32 : index
    %swap3A_8 = tpu.vector_load %arg5[%swap3A_7] {strides = array<i32>} : memref<768xi32, #tpu.memory_space<vmem>>, vector<16xi32>,
    tpu.vector_store %arg5[%swap3A_7], %broadcast_in_dim3A_1 {strides = array<i32>} : memref<768xi32, #tpu.memory_space<vmem>>, vector<16xi32>,
    %swap3A_9 = arith.constant 48 : index
    %swap3A_10 = tpu.vector_load %arg5[%swap3A_9] {strides = array<i32>} : memref<768xi32, #tpu.memory_space<vmem>>, vector<16xi32>,
    tpu.vector_store %arg5[%swap3A_9], %broadcast_in_dim3A_1 {strides = array<i32>} : memref<768xi32, #tpu.memory_space<vmem>>, vector<16xi32>,
    %swap3A_11 = arith.constant 64 : index
    %swap3A_12 = tpu.vector_load %arg5[%swap3A_11] {strides = array<i32>} : memref<768xi32, #tpu.memory_space<vmem>>, vector<16xi32>,
    tpu.vector_store %arg5[%swap3A_11], %broadcast_in_dim3A_1 {strides = array<i32>} : memref<768xi32, #tpu.memory_space<vmem>>, vector<16xi32>,
    %swap3A_13 = arith.constant 80 : index
    %swap3A_14 = tpu.vector_load %arg5[%swap3A_13] {strides = array<i32>} : memref<768xi32, #tpu.memory_space<vmem>>, vector<16xi32>,
    tpu.vector_store %arg5[%swap3A_13], %broadcast_in_dim3A_1 {strides = array<i32>} : memref<768xi32, #tpu.memory_space<vmem>>, vector<16xi32>,
    %swap3A_15 = arith.constant 96 : index
    %swap3A_16 = tpu.vector_load %arg5[%swap3A_15] {strides = array<i32>} : memref<768xi32, #tpu.memory_space<vmem>>, vector<16xi32>,
    tpu.vector_store %arg5[%swap3A_15], %broadcast_in_dim3A_1 {strides = array<i32>} : memref<768xi32, #tpu.memory_space<vmem>>, vector<16xi32>,
    %swap3A_17 = arith.constant 112 : index
    %swap3A_18 = tpu.vector_load %arg5[%swap3A_17] {strides = array<i32>} : memref<768xi32, #tpu.memory_space<vmem>>, vector<16xi32>,
    tpu.vector_store %arg5[%swap3A_17], %broadcast_in_dim3A_1 {strides = array<i32>} : memref<768xi32, #tpu.memory_space<vmem>>, vector<16xi32>,
    %swap3A_19 = arith.constant 128 : index
    %swap3A_20 = tpu.vector_load %arg5[%swap3A_19] {strides = array<i32>} : memref<768xi32, #tpu.memory_space<vmem>>, vector<16xi32>,
    tpu.vector_store %arg5[%swap3A_19], %broadcast_in_dim3A_1 {strides = array<i32>} : memref<768xi32, #tpu.memory_space<vmem>>, vector<16xi32>,
    %swap3A_21 = arith.constant 144 : index
    %swap3A_22 = tpu.vector_load %arg5[%swap3A_21] {strides = array<i32>} : memref<768xi32, #tpu.memory_space<vmem>>, vector<16xi32>,
    tpu.vector_store %arg5[%swap3A_21], %broadcast_in_dim3A_1 {strides = array<i32>} : memref<768xi32, #tpu.memory_space<vmem>>, vector<16xi32>,
    %swap3A_23 = arith.constant 160 : index
    %swap3A_24 = tpu.vector_load %arg5[%swap3A_23] {strides = array<i32>} : memref<768xi32, #tpu.memory_space<vmem>>, vector<16xi32>,
    tpu.vector_store %arg5[%swap3A_23], %broadcast_in_dim3A_1 {strides = array<i32>} : memref<768xi32, #tpu.memory_space<vmem>>, vector<16xi32>,
    %swap3A_25 = arith.constant 176 : index
    %swap3A_26 = tpu.vector_load %arg5[%swap3A_25] {strides = array<i32>} : memref<768xi32, #tpu.memory_space<vmem>>, vector<16xi32>,
    tpu.vector_store %arg5[%swap3A_25], %broadcast_in_dim3A_1 {strides = array<i32>} : memref<768xi32, #tpu.memory_space<vmem>>, vector<16xi32>,
    %swap3A_27 = arith.constant 192 : index
    %swap3A_28 = tpu.vector_load %arg5[%swap3A_27] {strides = array<i32>} : memref<768xi32, #tpu.memory_space<vmem>>, vector<16xi32>,
    tpu.vector_store %arg5[%swap3A_27], %broadcast_in_dim3A_1 {strides = array<i32>} : memref<768xi32, #tpu.memory_space<vmem>>, vector<16xi32>,
    %swap3A_29 = arith.constant 208 : index
    %swap3A_30 = tpu.vector_load %arg5[%swap3A_29] {strides = array<i32>} : memref<768xi32, #tpu.memory_space<vmem>>, vector<16xi32>,
    tpu.vector_store %arg5[%swap3A_29], %broadcast_in_dim3A_1 {strides = array<i32>} : memref<768xi32, #tpu.memory_space<vmem>>, vector<16xi32>,
    %swap3A_31 = arith.constant 224 : index
    %swap3A_32 = tpu.vector_load %arg5[%swap3A_31] {strides = array<i32>} : memref<768xi32, #tpu.memory_space<vmem>>, vector<16xi32>,
    tpu.vector_store %arg5[%swap3A_31], %broadcast_in_dim3A_1 {strides = array<i32>} : memref<768xi32, #tpu.memory_space<vmem>>, vector<16xi32>,
    %swap3A_33 = arith.constant 240 : index
    %swap3A_34 = tpu.vector_load %arg5[%swap3A_33] {strides = array<i32>} : memref<768xi32, #tpu.memory_space<vmem>>, vector<16xi32>,
    tpu.vector_store %arg5[%swap3A_33], %broadcast_in_dim3A_1 {strides = array<i32>} : memref<768xi32, #tpu.memory_space<vmem>>, vector<16xi32>,
    %swap3A_35 = arith.constant 256 : index
    %swap3A_36 = tpu.vector_load %arg5[%swap3A_35] {strides = array<i32>} : memref<768xi32, #tpu.memory_space<vmem>>, vector<16xi32>,
    tpu.vector_store %arg5[%swap3A_35], %broadcast_in_dim3A_1 {strides = array<i32>} : memref<768xi32, #tpu.memory_space<vmem>>, vector<16xi32>,
    %swap3A_37 = arith.constant 272 : index
    %swap3A_38 = tpu.vector_load %arg5[%swap3A_37] {strides = array<i32>} : memref<768xi32, #tpu.memory_space<vmem>>, vector<16xi32>,
    tpu.vector_store %arg5[%swap3A_37], %broadcast_in_dim3A_1 {strides = array<i32>} : memref<768xi32, #tpu.memory_space<vmem>>, vector<16xi32>,
    %swap3A_39 = arith.constant 288 : index
    %swap3A_40 = tpu.vector_load %arg5[%swap3A_39] {strides = array<i32>} : memref<768xi32, #tpu.memory_space<vmem>>, vector<16xi32>,
    tpu.vector_store %arg5[%swap3A_39], %broadcast_in_dim3A_1 {strides = array<i32>} : memref<768xi32, #tpu.memory_space<vmem>>, vector<16xi32>,
    %swap3A_41 = arith.constant 304 : index
    %swap3A_42 = tpu.vector_load %arg5[%swap3A_41] {strides = array<i32>} : memref<768xi32, #tpu.memory_space<vmem>>, vector<16xi32>,
    tpu.vector_store %arg5[%swap3A_41], %broadcast_in_dim3A_1 {strides = array<i32>} : memref<768xi32, #tpu.memory_space<vmem>>, vector<16xi32>,
    %swap3A_43 = arith.constant 320 : index
    %swap3A_44 = tpu.vector_load %arg5[%swap3A_43] {strides = array<i32>} : memref<768xi32, #tpu.memory_space<vmem>>, vector<16xi32>,
    tpu.vector_store %arg5[%swap3A_43], %broadcast_in_dim3A_1 {strides = array<i32>} : memref<768xi32, #tpu.memory_space<vmem>>, vector<16xi32>,
    %swap3A_45 = arith.constant 336 : index
    %swap3A_46 = tpu.vector_load %arg5[%swap3A_45] {strides = array<i32>} : memref<768xi32, #tpu.memory_space<vmem>>, vector<16xi32>,
    tpu.vector_store %arg5[%swap3A_45], %broadcast_in_dim3A_1 {strides = array<i32>} : memref<768xi32, #tpu.memory_space<vmem>>, vector<16xi32>,
    %swap3A_47 = arith.constant 352 : index
    %swap3A_48 = tpu.vector_load %arg5[%swap3A_47] {strides = array<i32>} : memref<768xi32, #tpu.memory_space<vmem>>, vector<16xi32>,
    tpu.vector_store %arg5[%swap3A_47], %broadcast_in_dim3A_1 {strides = array<i32>} : memref<768xi32, #tpu.memory_space<vmem>>, vector<16xi32>,
    %swap3A_49 = arith.constant 368 : index
    %swap3A_50 = tpu.vector_load %arg5[%swap3A_49] {strides = array<i32>} : memref<768xi32, #tpu.memory_space<vmem>>, vector<16xi32>,
    tpu.vector_store %arg5[%swap3A_49], %broadcast_in_dim3A_1 {strides = array<i32>} : memref<768xi32, #tpu.memory_space<vmem>>, vector<16xi32>,
    %swap3A_51 = arith.constant 384 : index
    %swap3A_52 = tpu.vector_load %arg5[%swap3A_51] {strides = array<i32>} : memref<768xi32, #tpu.memory_space<vmem>>, vector<16xi32>,
    tpu.vector_store %arg5[%swap3A_51], %broadcast_in_dim3A_1 {strides = array<i32>} : memref<768xi32, #tpu.memory_space<vmem>>, vector<16xi32>,
    %swap3A_53 = arith.constant 400 : index
    %swap3A_54 = tpu.vector_load %arg5[%swap3A_53] {strides = array<i32>} : memref<768xi32, #tpu.memory_space<vmem>>, vector<16xi32>,
    tpu.vector_store %arg5[%swap3A_53], %broadcast_in_dim3A_1 {strides = array<i32>} : memref<768xi32, #tpu.memory_space<vmem>>, vector<16xi32>,
    %swap3A_55 = arith.constant 416 : index
    %swap3A_56 = tpu.vector_load %arg5[%swap3A_55] {strides = array<i32>} : memref<768xi32, #tpu.memory_space<vmem>>, vector<16xi32>,
    tpu.vector_store %arg5[%swap3A_55], %broadcast_in_dim3A_1 {strides = array<i32>} : memref<768xi32, #tpu.memory_space<vmem>>, vector<16xi32>,
    %swap3A_57 = arith.constant 432 : index
    %swap3A_58 = tpu.vector_load %arg5[%swap3A_57] {strides = array<i32>} : memref<768xi32, #tpu.memory_space<vmem>>, vector<16xi32>,
    tpu.vector_store %arg5[%swap3A_57], %broadcast_in_dim3A_1 {strides = array<i32>} : memref<768xi32, #tpu.memory_space<vmem>>, vector<16xi32>,
    %swap3A_59 = arith.constant 448 : index
    %swap3A_60 = tpu.vector_load %arg5[%swap3A_59] {strides = array<i32>} : memref<768xi32, #tpu.memory_space<vmem>>, vector<16xi32>,
    tpu.vector_store %arg5[%swap3A_59], %broadcast_in_dim3A_1 {strides = array<i32>} : memref<768xi32, #tpu.memory_space<vmem>>, vector<16xi32>,
    %swap3A_61 = arith.constant 464 : index
    %swap3A_62 = tpu.vector_load %arg5[%swap3A_61] {strides = array<i32>} : memref<768xi32, #tpu.memory_space<vmem>>, vector<16xi32>,
    tpu.vector_store %arg5[%swap3A_61], %broadcast_in_dim3A_1 {strides = array<i32>} : memref<768xi32, #tpu.memory_space<vmem>>, vector<16xi32>,
    %swap3A_63 = arith.constant 480 : index
    %swap3A_64 = tpu.vector_load %arg5[%swap3A_63] {strides = array<i32>} : memref<768xi32, #tpu.memory_space<vmem>>, vector<16xi32>,
    tpu.vector_store %arg5[%swap3A_63], %broadcast_in_dim3A_1 {strides = array<i32>} : memref<768xi32, #tpu.memory_space<vmem>>, vector<16xi32>,
    %swap3A_65 = arith.constant 496 : index
    %swap3A_66 = tpu.vector_load %arg5[%swap3A_65] {strides = array<i32>} : memref<768xi32, #tpu.memory_space<vmem>>, vector<16xi32>,
    tpu.vector_store %arg5[%swap3A_65], %broadcast_in_dim3A_1 {strides = array<i32>} : memref<768xi32, #tpu.memory_space<vmem>>, vector<16xi32>,
    %swap3A_67 = arith.constant 512 : index
    %swap3A_68 = tpu.vector_load %arg5[%swap3A_67] {strides = array<i32>} : memref<768xi32, #tpu.memory_space<vmem>>, vector<16xi32>,
    tpu.vector_store %arg5[%swap3A_67], %broadcast_in_dim3A_1 {strides = array<i32>} : memref<768xi32, #tpu.memory_space<vmem>>, vector<16xi32>,
    %swap3A_69 = arith.constant 528 : index
    %swap3A_70 = tpu.vector_load %arg5[%swap3A_69] {strides = array<i32>} : memref<768xi32, #tpu.memory_space<vmem>>, vector<16xi32>,
    tpu.vector_store %arg5[%swap3A_69], %broadcast_in_dim3A_1 {strides = array<i32>} : memref<768xi32, #tpu.memory_space<vmem>>, vector<16xi32>,
    %swap3A_71 = arith.constant 544 : index
    %swap3A_72 = tpu.vector_load %arg5[%swap3A_71] {strides = array<i32>} : memref<768xi32, #tpu.memory_space<vmem>>, vector<16xi32>,
    tpu.vector_store %arg5[%swap3A_71], %broadcast_in_dim3A_1 {strides = array<i32>} : memref<768xi32, #tpu.memory_space<vmem>>, vector<16xi32>,
    %swap3A_73 = arith.constant 560 : index
    %swap3A_74 = tpu.vector_load %arg5[%swap3A_73] {strides = array<i32>} : memref<768xi32, #tpu.memory_space<vmem>>, vector<16xi32>,
    tpu.vector_store %arg5[%swap3A_73], %broadcast_in_dim3A_1 {strides = array<i32>} : memref<768xi32, #tpu.memory_space<vmem>>, vector<16xi32>,
    %swap3A_75 = arith.constant 576 : index
    %swap3A_76 = tpu.vector_load %arg5[%swap3A_75] {strides = array<i32>} : memref<768xi32, #tpu.memory_space<vmem>>, vector<16xi32>,
    tpu.vector_store %arg5[%swap3A_75], %broadcast_in_dim3A_1 {strides = array<i32>} : memref<768xi32, #tpu.memory_space<vmem>>, vector<16xi32>,
    %swap3A_77 = arith.constant 592 : index
    %swap3A_78 = tpu.vector_load %arg5[%swap3A_77] {strides = array<i32>} : memref<768xi32, #tpu.memory_space<vmem>>, vector<16xi32>,
    tpu.vector_store %arg5[%swap3A_77], %broadcast_in_dim3A_1 {strides = array<i32>} : memref<768xi32, #tpu.memory_space<vmem>>, vector<16xi32>,
    %swap3A_79 = arith.constant 608 : index
    %swap3A_80 = tpu.vector_load %arg5[%swap3A_79] {strides = array<i32>} : memref<768xi32, #tpu.memory_space<vmem>>, vector<16xi32>,
    tpu.vector_store %arg5[%swap3A_79], %broadcast_in_dim3A_1 {strides = array<i32>} : memref<768xi32, #tpu.memory_space<vmem>>, vector<16xi32>,
    %swap3A_81 = arith.constant 624 : index
    %swap3A_82 = tpu.vector_load %arg5[%swap3A_81] {strides = array<i32>} : memref<768xi32, #tpu.memory_space<vmem>>, vector<16xi32>,
    tpu.vector_store %arg5[%swap3A_81], %broadcast_in_dim3A_1 {strides = array<i32>} : memref<768xi32, #tpu.memory_space<vmem>>, vector<16xi32>,
    %swap3A_83 = arith.constant 640 : index
    %swap3A_84 = tpu.vector_load %arg5[%swap3A_83] {strides = array<i32>} : memref<768xi32, #tpu.memory_space<vmem>>, vector<16xi32>,
    tpu.vector_store %arg5[%swap3A_83], %broadcast_in_dim3A_1 {strides = array<i32>} : memref<768xi32, #tpu.memory_space<vmem>>, vector<16xi32>,
    %swap3A_85 = arith.constant 656 : index
    %swap3A_86 = tpu.vector_load %arg5[%swap3A_85] {strides = array<i32>} : memref<768xi32, #tpu.memory_space<vmem>>, vector<16xi32>,
    tpu.vector_store %arg5[%swap3A_85], %broadcast_in_dim3A_1 {strides = array<i32>} : memref<768xi32, #tpu.memory_space<vmem>>, vector<16xi32>,
    %swap3A_87 = arith.constant 672 : index
    %swap3A_88 = tpu.vector_load %arg5[%swap3A_87] {strides = array<i32>} : memref<768xi32, #tpu.memory_space<vmem>>, vector<16xi32>,
    tpu.vector_store %arg5[%swap3A_87], %broadcast_in_dim3A_1 {strides = array<i32>} : memref<768xi32, #tpu.memory_space<vmem>>, vector<16xi32>,
    %swap3A_89 = arith.constant 688 : index
    %swap3A_90 = tpu.vector_load %arg5[%swap3A_89] {strides = array<i32>} : memref<768xi32, #tpu.memory_space<vmem>>, vector<16xi32>,
    tpu.vector_store %arg5[%swap3A_89], %broadcast_in_dim3A_1 {strides = array<i32>} : memref<768xi32, #tpu.memory_space<vmem>>, vector<16xi32>,
    %swap3A_91 = arith.constant 704 : index
    %swap3A_92 = tpu.vector_load %arg5[%swap3A_91] {strides = array<i32>} : memref<768xi32, #tpu.memory_space<vmem>>, vector<16xi32>,
    tpu.vector_store %arg5[%swap3A_91], %broadcast_in_dim3A_1 {strides = array<i32>} : memref<768xi32, #tpu.memory_space<vmem>>, vector<16xi32>,
    %swap3A_93 = arith.constant 720 : index
    %swap3A_94 = tpu.vector_load %arg5[%swap3A_93] {strides = array<i32>} : memref<768xi32, #tpu.memory_space<vmem>>, vector<16xi32>,
    tpu.vector_store %arg5[%swap3A_93], %broadcast_in_dim3A_1 {strides = array<i32>} : memref<768xi32, #tpu.memory_space<vmem>>, vector<16xi32>,
    %swap3A_95 = arith.constant 736 : index
    %swap3A_96 = tpu.vector_load %arg5[%swap3A_95] {strides = array<i32>} : memref<768xi32, #tpu.memory_space<vmem>>, vector<16xi32>,
    tpu.vector_store %arg5[%swap3A_95], %broadcast_in_dim3A_1 {strides = array<i32>} : memref<768xi32, #tpu.memory_space<vmem>>, vector<16xi32>,
    %swap3A_97 = arith.constant 752 : index
    %swap3A_98 = tpu.vector_load %arg5[%swap3A_97] {strides = array<i32>} : memref<768xi32, #tpu.memory_space<vmem>>, vector<16xi32>,
    tpu.vector_store %arg5[%swap3A_97], %broadcast_in_dim3A_1 {strides = array<i32>} : memref<768xi32, #tpu.memory_space<vmem>>, vector<16xi32>,
    %mul3A_99 = arith.constant 10000 : i32
    %mul3A_100 = arith.muli %add3A, %mul3A_99 : i32
    %scan3A = arith.constant 0 : i32
    %scan3A_101 = arith.constant 0 : i32
    %scan3A_102 = arith.constant 5 : i32
    %scan3A_103 = arith.addi %scan3A_101, %scan3A_102 : i32
    %scan3A_104 = arith.constant 1 : i32
    scf.for %scan3A_263 = %scan3A_101 to %scan3A_103 step %scan3A_104  : i32 {
      %mul3A_264 = arith.constant 2000 : i32
      %mul3A_265 = arith.muli %scan3A_263, %mul3A_264 : i32
      %add3A_266 = arith.addi %mul3A_100, %mul3A_265 : i32
      "tpu.region"() ({
        %run_scoped3A = tpu.sem_alloc : memref<!tpu.dma_semaphore, #tpu.memory_space<semaphore_mem>>
        %dma_start3A = tpu.memref_slice %arg2[%add3A_266] : memref<320000xi32, #tpu.memory_space<hbm>> -> memref<2000xi32, #tpu.memory_space<hbm>>
        %dma_start3A_273 = tpu.memref_slice %arg2[%add3A_266] : memref<320000xi32, #tpu.memory_space<hbm>> -> memref<2000xi32, #tpu.memory_space<hbm>>
        tpu.enqueue_dma source(%dma_start3A_273 : memref<2000xi32, #tpu.memory_space<hbm>>) target(%arg4 : memref<2000xi32, #tpu.memory_space<vmem>>) target_semaphore(%run_scoped3A : memref<!tpu.dma_semaphore, #tpu.memory_space<semaphore_mem>>)
        %dma_wait3A = tpu.memref_slice %arg2[%add3A_266] : memref<320000xi32, #tpu.memory_space<hbm>> -> memref<2000xi32, #tpu.memory_space<hbm>>
        %dma_wait3A_274 = tpu.memref_slice %arg2[%add3A_266] : memref<320000xi32, #tpu.memory_space<hbm>> -> memref<2000xi32, #tpu.memory_space<hbm>>
        tpu.wait_dma2 semaphore(%run_scoped3A : memref<!tpu.dma_semaphore, #tpu.memory_space<semaphore_mem>>) src(%dma_wait3A_274 : memref<2000xi32, #tpu.memory_space<hbm>>) dst(%arg4 : memref<2000xi32, #tpu.memory_space<vmem>>)
        tpu.yield
      }) : () -> ()
      %scan3A_267 = arith.constant 0 : i32
      %scan3A_268 = arith.constant 0 : i32
      %scan3A_269 = arith.constant 125 : i32
      %scan3A_270 = arith.addi %scan3A_268, %scan3A_269 : i32
      %scan3A_271 = arith.constant 1 : i32
      scf.for %scan3A_273 = %scan3A_268 to %scan3A_270 step %scan3A_271  : i32 {
        %mul3A_274 = arith.constant 16 : i32
        %mul3A_275 = arith.muli %scan3A_273, %mul3A_274 : i32
        %get3A_276 = arith.index_cast %mul3A_275 : i32 to index
        %get3A_277 = tpu.vector_load %arg4[%get3A_276] {strides = array<i32>} : memref<2000xi32, #tpu.memory_space<vmem>>, vector<16xi32>,
        %shift_right_arithmetic3A = arith.constant 13 : i32
        %shift_right_arithmetic3A_278 = vector.broadcast %shift_right_arithmetic3A : i32 to vector<16xi32>
        %shift_right_arithmetic3A_279 = arith.shrsi %get3A_277, %shift_right_arithmetic3A_278 : vector<16xi32>
        %mul3A_280 = arith.constant 48 : i32
        %mul3A_281 = vector.broadcast %mul3A_280 : i32 to vector<16xi32>
        %mul3A_282 = arith.muli %iota3A, %mul3A_281 : vector<16xi32>
        %add3A_283 = arith.addi %mul3A_282, %shift_right_arithmetic3A_279 : vector<16xi32>
        tpu.vector_store_idx %arg5[%add3A_283], %broadcast_in_dim3A_3 {add = true} : memref<768xi32, #tpu.memory_space<vmem>>[vector<16xi32>], vector<16xi32>,
      }
      %scan3A_272 = arith.constant 125 : i32
    }
    %scan3A_105 = arith.constant 5 : i32
    %broadcast_in_dim3A_106 = arith.constant 0 : i32
    %broadcast_in_dim3A_107 = vector.broadcast %broadcast_in_dim3A_106 : i32 to vector<16xi32>
    %get3A = arith.constant 0 : index
    %get3A_108 = tpu.vector_load %arg5[%get3A] {strides = array<i32>} : memref<768xi32, #tpu.memory_space<vmem>>, vector<16xi32>,
    %add3A_109 = arith.addi %broadcast_in_dim3A_107, %get3A_108 : vector<16xi32>
    %get3A_110 = arith.constant 48 : index
    %get3A_111 = tpu.vector_load %arg5[%get3A_110] {strides = array<i32>} : memref<768xi32, #tpu.memory_space<vmem>>, vector<16xi32>,
    %add3A_112 = arith.addi %add3A_109, %get3A_111 : vector<16xi32>
    %get3A_113 = arith.constant 96 : index
    %get3A_114 = tpu.vector_load %arg5[%get3A_113] {strides = array<i32>} : memref<768xi32, #tpu.memory_space<vmem>>, vector<16xi32>,
    %add3A_115 = arith.addi %add3A_112, %get3A_114 : vector<16xi32>
    %get3A_116 = arith.constant 144 : index
    %get3A_117 = tpu.vector_load %arg5[%get3A_116] {strides = array<i32>} : memref<768xi32, #tpu.memory_space<vmem>>, vector<16xi32>,
    %add3A_118 = arith.addi %add3A_115, %get3A_117 : vector<16xi32>
    %get3A_119 = arith.constant 192 : index
    %get3A_120 = tpu.vector_load %arg5[%get3A_119] {strides = array<i32>} : memref<768xi32, #tpu.memory_space<vmem>>, vector<16xi32>,
    %add3A_121 = arith.addi %add3A_118, %get3A_120 : vector<16xi32>
    %get3A_122 = arith.constant 240 : index
    %get3A_123 = tpu.vector_load %arg5[%get3A_122] {strides = array<i32>} : memref<768xi32, #tpu.memory_space<vmem>>, vector<16xi32>,
    %add3A_124 = arith.addi %add3A_121, %get3A_123 : vector<16xi32>
    %get3A_125 = arith.constant 288 : index
    %get3A_126 = tpu.vector_load %arg5[%get3A_125] {strides = array<i32>} : memref<768xi32, #tpu.memory_space<vmem>>, vector<16xi32>,
    %add3A_127 = arith.addi %add3A_124, %get3A_126 : vector<16xi32>
    %get3A_128 = arith.constant 336 : index
    %get3A_129 = tpu.vector_load %arg5[%get3A_128] {strides = array<i32>} : memref<768xi32, #tpu.memory_space<vmem>>, vector<16xi32>,
    %add3A_130 = arith.addi %add3A_127, %get3A_129 : vector<16xi32>
    %get3A_131 = arith.constant 384 : index
    %get3A_132 = tpu.vector_load %arg5[%get3A_131] {strides = array<i32>} : memref<768xi32, #tpu.memory_space<vmem>>, vector<16xi32>,
    %add3A_133 = arith.addi %add3A_130, %get3A_132 : vector<16xi32>
    %get3A_134 = arith.constant 432 : index
    %get3A_135 = tpu.vector_load %arg5[%get3A_134] {strides = array<i32>} : memref<768xi32, #tpu.memory_space<vmem>>, vector<16xi32>,
    %add3A_136 = arith.addi %add3A_133, %get3A_135 : vector<16xi32>
    %get3A_137 = arith.constant 480 : index
    %get3A_138 = tpu.vector_load %arg5[%get3A_137] {strides = array<i32>} : memref<768xi32, #tpu.memory_space<vmem>>, vector<16xi32>,
    %add3A_139 = arith.addi %add3A_136, %get3A_138 : vector<16xi32>
    %get3A_140 = arith.constant 528 : index
    %get3A_141 = tpu.vector_load %arg5[%get3A_140] {strides = array<i32>} : memref<768xi32, #tpu.memory_space<vmem>>, vector<16xi32>,
    %add3A_142 = arith.addi %add3A_139, %get3A_141 : vector<16xi32>
    %get3A_143 = arith.constant 576 : index
    %get3A_144 = tpu.vector_load %arg5[%get3A_143] {strides = array<i32>} : memref<768xi32, #tpu.memory_space<vmem>>, vector<16xi32>,
    %add3A_145 = arith.addi %add3A_142, %get3A_144 : vector<16xi32>
    %get3A_146 = arith.constant 624 : index
    %get3A_147 = tpu.vector_load %arg5[%get3A_146] {strides = array<i32>} : memref<768xi32, #tpu.memory_space<vmem>>, vector<16xi32>,
    %add3A_148 = arith.addi %add3A_145, %get3A_147 : vector<16xi32>
    %get3A_149 = arith.constant 672 : index
    %get3A_150 = tpu.vector_load %arg5[%get3A_149] {strides = array<i32>} : memref<768xi32, #tpu.memory_space<vmem>>, vector<16xi32>,
    %add3A_151 = arith.addi %add3A_148, %get3A_150 : vector<16xi32>
    %get3A_152 = arith.constant 720 : index
    %get3A_153 = tpu.vector_load %arg5[%get3A_152] {strides = array<i32>} : memref<768xi32, #tpu.memory_space<vmem>>, vector<16xi32>,
    %add3A_154 = arith.addi %add3A_151, %get3A_153 : vector<16xi32>
    %swap3A_155 = arith.constant 0 : index
    %swap3A_156 = tpu.vector_load %arg6[%swap3A_155] {strides = array<i32>} : memref<48xi32, #tpu.memory_space<vmem>>, vector<16xi32>,
    tpu.vector_store %arg6[%swap3A_155], %add3A_154 {strides = array<i32>} : memref<48xi32, #tpu.memory_space<vmem>>, vector<16xi32>,
    %broadcast_in_dim3A_157 = arith.constant 0 : i32
    %broadcast_in_dim3A_158 = vector.broadcast %broadcast_in_dim3A_157 : i32 to vector<16xi32>
    %get3A_159 = arith.constant 16 : index
    %get3A_160 = tpu.vector_load %arg5[%get3A_159] {strides = array<i32>} : memref<768xi32, #tpu.memory_space<vmem>>, vector<16xi32>,
    %add3A_161 = arith.addi %broadcast_in_dim3A_158, %get3A_160 : vector<16xi32>
    %get3A_162 = arith.constant 64 : index
    %get3A_163 = tpu.vector_load %arg5[%get3A_162] {strides = array<i32>} : memref<768xi32, #tpu.memory_space<vmem>>, vector<16xi32>,
    %add3A_164 = arith.addi %add3A_161, %get3A_163 : vector<16xi32>
    %get3A_165 = arith.constant 112 : index
    %get3A_166 = tpu.vector_load %arg5[%get3A_165] {strides = array<i32>} : memref<768xi32, #tpu.memory_space<vmem>>, vector<16xi32>,
    %add3A_167 = arith.addi %add3A_164, %get3A_166 : vector<16xi32>
    %get3A_168 = arith.constant 160 : index
    %get3A_169 = tpu.vector_load %arg5[%get3A_168] {strides = array<i32>} : memref<768xi32, #tpu.memory_space<vmem>>, vector<16xi32>,
    %add3A_170 = arith.addi %add3A_167, %get3A_169 : vector<16xi32>
    %get3A_171 = arith.constant 208 : index
    %get3A_172 = tpu.vector_load %arg5[%get3A_171] {strides = array<i32>} : memref<768xi32, #tpu.memory_space<vmem>>, vector<16xi32>,
    %add3A_173 = arith.addi %add3A_170, %get3A_172 : vector<16xi32>
    %get3A_174 = arith.constant 256 : index
    %get3A_175 = tpu.vector_load %arg5[%get3A_174] {strides = array<i32>} : memref<768xi32, #tpu.memory_space<vmem>>, vector<16xi32>,
    %add3A_176 = arith.addi %add3A_173, %get3A_175 : vector<16xi32>
    %get3A_177 = arith.constant 304 : index
    %get3A_178 = tpu.vector_load %arg5[%get3A_177] {strides = array<i32>} : memref<768xi32, #tpu.memory_space<vmem>>, vector<16xi32>,
    %add3A_179 = arith.addi %add3A_176, %get3A_178 : vector<16xi32>
    %get3A_180 = arith.constant 352 : index
    %get3A_181 = tpu.vector_load %arg5[%get3A_180] {strides = array<i32>} : memref<768xi32, #tpu.memory_space<vmem>>, vector<16xi32>,
    %add3A_182 = arith.addi %add3A_179, %get3A_181 : vector<16xi32>
    %get3A_183 = arith.constant 400 : index
    %get3A_184 = tpu.vector_load %arg5[%get3A_183] {strides = array<i32>} : memref<768xi32, #tpu.memory_space<vmem>>, vector<16xi32>,
    %add3A_185 = arith.addi %add3A_182, %get3A_184 : vector<16xi32>
    %get3A_186 = arith.constant 448 : index
    %get3A_187 = tpu.vector_load %arg5[%get3A_186] {strides = array<i32>} : memref<768xi32, #tpu.memory_space<vmem>>, vector<16xi32>,
    %add3A_188 = arith.addi %add3A_185, %get3A_187 : vector<16xi32>
    %get3A_189 = arith.constant 496 : index
    %get3A_190 = tpu.vector_load %arg5[%get3A_189] {strides = array<i32>} : memref<768xi32, #tpu.memory_space<vmem>>, vector<16xi32>,
    %add3A_191 = arith.addi %add3A_188, %get3A_190 : vector<16xi32>
    %get3A_192 = arith.constant 544 : index
    %get3A_193 = tpu.vector_load %arg5[%get3A_192] {strides = array<i32>} : memref<768xi32, #tpu.memory_space<vmem>>, vector<16xi32>,
    %add3A_194 = arith.addi %add3A_191, %get3A_193 : vector<16xi32>
    %get3A_195 = arith.constant 592 : index
    %get3A_196 = tpu.vector_load %arg5[%get3A_195] {strides = array<i32>} : memref<768xi32, #tpu.memory_space<vmem>>, vector<16xi32>,
    %add3A_197 = arith.addi %add3A_194, %get3A_196 : vector<16xi32>
    %get3A_198 = arith.constant 640 : index
    %get3A_199 = tpu.vector_load %arg5[%get3A_198] {strides = array<i32>} : memref<768xi32, #tpu.memory_space<vmem>>, vector<16xi32>,
    %add3A_200 = arith.addi %add3A_197, %get3A_199 : vector<16xi32>
    %get3A_201 = arith.constant 688 : index
    %get3A_202 = tpu.vector_load %arg5[%get3A_201] {strides = array<i32>} : memref<768xi32, #tpu.memory_space<vmem>>, vector<16xi32>,
    %add3A_203 = arith.addi %add3A_200, %get3A_202 : vector<16xi32>
    %get3A_204 = arith.constant 736 : index
    %get3A_205 = tpu.vector_load %arg5[%get3A_204] {strides = array<i32>} : memref<768xi32, #tpu.memory_space<vmem>>, vector<16xi32>,
    %add3A_206 = arith.addi %add3A_203, %get3A_205 : vector<16xi32>
    %swap3A_207 = arith.constant 16 : index
    %swap3A_208 = tpu.vector_load %arg6[%swap3A_207] {strides = array<i32>} : memref<48xi32, #tpu.memory_space<vmem>>, vector<16xi32>,
    tpu.vector_store %arg6[%swap3A_207], %add3A_206 {strides = array<i32>} : memref<48xi32, #tpu.memory_space<vmem>>, vector<16xi32>,
    %broadcast_in_dim3A_209 = arith.constant 0 : i32
    %broadcast_in_dim3A_210 = vector.broadcast %broadcast_in_dim3A_209 : i32 to vector<16xi32>
    %get3A_211 = arith.constant 32 : index
    %get3A_212 = tpu.vector_load %arg5[%get3A_211] {strides = array<i32>} : memref<768xi32, #tpu.memory_space<vmem>>, vector<16xi32>,
    %add3A_213 = arith.addi %broadcast_in_dim3A_210, %get3A_212 : vector<16xi32>
    %get3A_214 = arith.constant 80 : index
    %get3A_215 = tpu.vector_load %arg5[%get3A_214] {strides = array<i32>} : memref<768xi32, #tpu.memory_space<vmem>>, vector<16xi32>,
    %add3A_216 = arith.addi %add3A_213, %get3A_215 : vector<16xi32>
    %get3A_217 = arith.constant 128 : index
    %get3A_218 = tpu.vector_load %arg5[%get3A_217] {strides = array<i32>} : memref<768xi32, #tpu.memory_space<vmem>>, vector<16xi32>,
    %add3A_219 = arith.addi %add3A_216, %get3A_218 : vector<16xi32>
    %get3A_220 = arith.constant 176 : index
    %get3A_221 = tpu.vector_load %arg5[%get3A_220] {strides = array<i32>} : memref<768xi32, #tpu.memory_space<vmem>>, vector<16xi32>,
    %add3A_222 = arith.addi %add3A_219, %get3A_221 : vector<16xi32>
    %get3A_223 = arith.constant 224 : index
    %get3A_224 = tpu.vector_load %arg5[%get3A_223] {strides = array<i32>} : memref<768xi32, #tpu.memory_space<vmem>>, vector<16xi32>,
    %add3A_225 = arith.addi %add3A_222, %get3A_224 : vector<16xi32>
    %get3A_226 = arith.constant 272 : index
    %get3A_227 = tpu.vector_load %arg5[%get3A_226] {strides = array<i32>} : memref<768xi32, #tpu.memory_space<vmem>>, vector<16xi32>,
    %add3A_228 = arith.addi %add3A_225, %get3A_227 : vector<16xi32>
    %get3A_229 = arith.constant 320 : index
    %get3A_230 = tpu.vector_load %arg5[%get3A_229] {strides = array<i32>} : memref<768xi32, #tpu.memory_space<vmem>>, vector<16xi32>,
    %add3A_231 = arith.addi %add3A_228, %get3A_230 : vector<16xi32>
    %get3A_232 = arith.constant 368 : index
    %get3A_233 = tpu.vector_load %arg5[%get3A_232] {strides = array<i32>} : memref<768xi32, #tpu.memory_space<vmem>>, vector<16xi32>,
    %add3A_234 = arith.addi %add3A_231, %get3A_233 : vector<16xi32>
    %get3A_235 = arith.constant 416 : index
    %get3A_236 = tpu.vector_load %arg5[%get3A_235] {strides = array<i32>} : memref<768xi32, #tpu.memory_space<vmem>>, vector<16xi32>,
    %add3A_237 = arith.addi %add3A_234, %get3A_236 : vector<16xi32>
    %get3A_238 = arith.constant 464 : index
    %get3A_239 = tpu.vector_load %arg5[%get3A_238] {strides = array<i32>} : memref<768xi32, #tpu.memory_space<vmem>>, vector<16xi32>,
    %add3A_240 = arith.addi %add3A_237, %get3A_239 : vector<16xi32>
    %get3A_241 = arith.constant 512 : index
    %get3A_242 = tpu.vector_load %arg5[%get3A_241] {strides = array<i32>} : memref<768xi32, #tpu.memory_space<vmem>>, vector<16xi32>,
    %add3A_243 = arith.addi %add3A_240, %get3A_242 : vector<16xi32>
    %get3A_244 = arith.constant 560 : index
    %get3A_245 = tpu.vector_load %arg5[%get3A_244] {strides = array<i32>} : memref<768xi32, #tpu.memory_space<vmem>>, vector<16xi32>,
    %add3A_246 = arith.addi %add3A_243, %get3A_245 : vector<16xi32>
    %get3A_247 = arith.constant 608 : index
    %get3A_248 = tpu.vector_load %arg5[%get3A_247] {strides = array<i32>} : memref<768xi32, #tpu.memory_space<vmem>>, vector<16xi32>,
    %add3A_249 = arith.addi %add3A_246, %get3A_248 : vector<16xi32>
    %get3A_250 = arith.constant 656 : index
    %get3A_251 = tpu.vector_load %arg5[%get3A_250] {strides = array<i32>} : memref<768xi32, #tpu.memory_space<vmem>>, vector<16xi32>,
    %add3A_252 = arith.addi %add3A_249, %get3A_251 : vector<16xi32>
    %get3A_253 = arith.constant 704 : index
    %get3A_254 = tpu.vector_load %arg5[%get3A_253] {strides = array<i32>} : memref<768xi32, #tpu.memory_space<vmem>>, vector<16xi32>,
    %add3A_255 = arith.addi %add3A_252, %get3A_254 : vector<16xi32>
    %get3A_256 = arith.constant 752 : index
    %get3A_257 = tpu.vector_load %arg5[%get3A_256] {strides = array<i32>} : memref<768xi32, #tpu.memory_space<vmem>>, vector<16xi32>,
    %add3A_258 = arith.addi %add3A_255, %get3A_257 : vector<16xi32>
    %swap3A_259 = arith.constant 32 : index
    %swap3A_260 = tpu.vector_load %arg6[%swap3A_259] {strides = array<i32>} : memref<48xi32, #tpu.memory_space<vmem>>, vector<16xi32>,
    tpu.vector_store %arg6[%swap3A_259], %add3A_258 {strides = array<i32>} : memref<48xi32, #tpu.memory_space<vmem>>, vector<16xi32>,
    %mul3A_261 = arith.constant 48 : i32
    %mul3A_262 = arith.muli %add3A, %mul3A_261 : i32
    "tpu.region"() ({
      %run_scoped3A = tpu.sem_alloc : memref<!tpu.dma_semaphore, #tpu.memory_space<semaphore_mem>>
      %dma_start3A = tpu.memref_slice %arg3[%mul3A_262] : memref<1536xi32, #tpu.memory_space<hbm>> -> memref<48xi32, #tpu.memory_space<hbm>>
      %dma_start3A_263 = tpu.memref_slice %arg3[%mul3A_262] : memref<1536xi32, #tpu.memory_space<hbm>> -> memref<48xi32, #tpu.memory_space<hbm>>
      tpu.enqueue_dma source(%arg6 : memref<48xi32, #tpu.memory_space<vmem>>) target(%dma_start3A_263 : memref<48xi32, #tpu.memory_space<hbm>>) target_semaphore(%run_scoped3A : memref<!tpu.dma_semaphore, #tpu.memory_space<semaphore_mem>>)
      %dma_wait3A = tpu.memref_slice %arg3[%mul3A_262] : memref<1536xi32, #tpu.memory_space<hbm>> -> memref<48xi32, #tpu.memory_space<hbm>>
      %dma_wait3A_264 = tpu.memref_slice %arg3[%mul3A_262] : memref<1536xi32, #tpu.memory_space<hbm>> -> memref<48xi32, #tpu.memory_space<hbm>>
      tpu.wait_dma2 semaphore(%run_scoped3A : memref<!tpu.dma_semaphore, #tpu.memory_space<semaphore_mem>>) src(%arg6 : memref<48xi32, #tpu.memory_space<vmem>>) dst(%dma_wait3A_264 : memref<48xi32, #tpu.memory_space<hbm>>)
      tpu.yield
    }) : () -> ()
    return
  }
}

</mosaic_0001>

<sc_bundles>
// kernel: _sc_hist.3.cloned.1.call-start
scs
__scs_entry_jumppad:
0x0: {  	(pc) =	sbr.rel $0x88, $3  }
0x1: {  	(tag) =	ssettag $0x0;
	lr =	simm.s32 $0x1  }
0x2: {  	[smem:$0x3FA0] =	sst lr;
	_ =	strace $0xD0000000  }
0x3: {  	_ = 	snop  }
0x4: {  	_ = 	snop  }
0x5: {  	_ = 	snop  }
0x6: {  	_ = 	snop  }
0x7: {  	_ = 	snop  }
__scs_overlays_trampoline_lowered:
0x8: {  	[smem:$0x3FAF] =	sst s0  }
0x9: {  	[smem:$0x3FB0] =	sst s1  }
0xa: {  	[smem:$0x3FB1] =	sst s2  }
0xb: {  	[smem:$0x3FB2] =	sst s3  }
0xc: {  	[smem:$0x3FB3] =	sst s4  }
0xd: {  	[smem:$0x3FB4] =	sst s5  }
0xe: {  	[smem:$0x3FB5] =	sst s6  }
0xf: {  	[smem:$0x3FB6] =	sst s7  }
0x10: {  	[smem:$0x3FB7] =	sst s8  }
0x11: {  	[smem:$0x3FB8] =	sst s9;
	s0 =	simm.s32 @!p0 $0x0  }
0x12: {  	s1 =	sld [smem:$0x3F9E];
	s0 =	simm.s32 @p0 $0x1  }
0x13: {  	[smem:$0x3FB9] =	sst s0;
	s0 =	simm.s32 @!p1 $0x0  }
0x14: {  	s2 =	sld [smem:$0x3F9D];
	s0 =	simm.s32 @p1 $0x1  }
0x15: {  	[smem:$0x3FBA] =	sst s0;
	s0 =	simm.s32 @!p2 $0x0  }
0x16: {  	s3 =	sld [smem:$0x3FDB];
	s0 =	simm.s32 @p2 $0x1  }
0x17: {  	s4 =	simm.s32 $0x1BF5;
	[smem:$0x3FBC] =	sst s0  }
0x18: {  	s0 =	sld [smem:$0x3F9F];
	_ =	swait.ge [sflag:s4], $0x0  }
0x19: {  	s7 =	sld [smem:$0x3FA0]  }
0x1a: {  	s8 =	sadd.s32 $0xFFFFE003, lr  }
0x1b: {  	s9 =	sadd.s32 $0xFFFFFEF7, lr;
	s5 =	simm.s32 $0xFFFFFFFF;
	p2 =	slt.u32 s8, $0xFFFFF086  }
0x1c: {  	p1 =	slt.u32 s9, $0xF7A;
	s5 =	simm.s32 @!p2 $0x0  }
0x1d: {  	s5 =	simm.s32 @p1 $0x1;
	p0 =	seq.s32 s7, s2  }
0x1e: {  	s7 =	smul.u32 @!p0 $0xF7A, s2;
	p2 =	seq.s32 @!p0 s5, $0x0  }
0x1f: {  	s9 =	smul.u32 $0xF7A, s1;
	s8 =	simm.s32 @!p0 $0x1BF5;
	p2 =	por !p2, p0  }
0x20: {  	[sflag:s8] =	ssyncset.s32 @!p0 $0xFFFFF086;
	s6 =	sadd.s32 @!p0 s3, s7;
	s7 =	simm.s32 @!p0 $0x108  }
0x21: {  	s3 =	sadd.s32 s3, s9;
	s6 =	sadd.s32 @!p0 $0x88, s6;
	s7 =	simm.s32 @p2 $0x1082  }
0x22: {  	[simem:s7], [sflag:s8] =	dma.local @!p0 [hbm:s6], $0xF7A  }
0x23: {  	s9 =	sor.u32 $0xD0000000, s2;
	s6 =	simm.s32 $0x108;
	_ =	swait.ge @!p0 [sflag:s8], $0x0  }
0x24: {  	s3 =	sadd.s32 $0x88, s3;
	s6 =	simm.s32 @!p1 $0x1082;
	[sflag:s4] =	ssyncset.s32 $0xFFFFF086  }
0x25: {  	[simem:s6], [sflag:s4] =	dma.local [hbm:s3], $0xF7A  }
0x26: {  	[smem:$0x3FA0] =	sst s1;
	(tag) =	ssettag s2;
	_ =	strace s9  }
0x27: {  	s1 =	sld [smem:$0x3FB0]  }
0x28: {  	s2 =	sld [smem:$0x3FB1]  }
0x29: {  	s4 =	sld [smem:$0x3FB3]  }
0x2a: {  	p0 =	seq.s32 s5, $0x0;
	s5 =	sld [smem:$0x3FB4]  }
0x2b: {  	s6 =	sld [smem:$0x3FB5]  }
0x2c: {  	s7 =	sld [smem:$0x3FB6]  }
0x2d: {  	s3 =	simm.s32 $0x108;
	s8 =	sld [smem:$0x3FB7]  }
0x2e: {  	s3 =	simm.s32 @!p0 $0x1082;
	s9 =	sld [smem:$0x3FB8]  }
0x2f: {  	lr =	sadd.s32 s0, s3;
	s0 =	sld [smem:$0x3FAF]  }
0x30: {  	s3 =	sld [smem:$0x3FB2]  }
0x31: {  	[smem:$0x3FBB] =	sst s10  }
0x32: {  	s10 =	sld [smem:$0x3FB9];
	_ =	sdelay $0x3  }
0x33: {  	p0 =	seq.s32 s10, $0x1;
	s10 =	sld [smem:$0x3FBB];
	_ =	sdelay $0x3  }
0x34: {  	[smem:$0x3FBB] =	sst s10  }
0x35: {  	s10 =	sld [smem:$0x3FBA];
	_ =	sdelay $0x3  }
0x36: {  	p1 =	seq.s32 s10, $0x1;
	s10 =	sld [smem:$0x3FBB];
	_ =	sdelay $0x3  }
0x37: {  	[smem:$0x3FBB] =	sst s10  }
0x38: {  	s10 =	sld [smem:$0x3FBC]  }
0x39: {  	_ = 	snop;
	(pc) =	sbr.ind lr, $3  }
0x3a: {  	_ = 	snop  }
0x3b: {  	_ = 	snop  }
0x3c: {  	p2 =	seq.s32 s10, $0x1;
	s10 =	sld [smem:$0x3FBB]  }
0x3d: {  	_ =	shalt  }
0x3e: {  	_ =	shalt  }
0x3f: {  	_ =	shalt  }
0x40: {  	_ =	shalt  }
0x41: {  	_ =	shalt  }
0x42: {  	_ =	shalt  }
0x43: {  	_ =	shalt  }
0x44: {  	_ =	shalt  }
0x45: {  	_ =	shalt  }
0x46: {  	_ =	shalt  }
0x47: {  	_ =	shalt  }
0x48: {  	_ =	shalt  }
0x49: {  	_ =	shalt  }
0x4a: {  	_ =	shalt  }
0x4b: {  	_ =	shalt  }
0x4c: {  	_ =	shalt  }
0x4d: {  	_ =	shalt  }
0x4e: {  	_ =	shalt  }
0x4f: {  	_ =	shalt  }
0x50: {  	_ =	shalt  }
0x51: {  	_ =	shalt  }
0x52: {  	_ =	shalt  }
0x53: {  	_ =	shalt  }
0x54: {  	_ =	shalt  }
0x55: {  	_ =	shalt  }
0x56: {  	_ =	shalt  }
0x57: {  	_ =	shalt  }
0x58: {  	_ =	shalt  }
0x59: {  	_ =	shalt  }
0x5a: {  	_ =	shalt  }
0x5b: {  	_ =	shalt  }
0x5c: {  	_ =	shalt  }
0x5d: {  	_ =	shalt  }
0x5e: {  	_ =	shalt  }
0x5f: {  	_ =	shalt  }
0x60: {  	_ =	shalt  }
0x61: {  	_ =	shalt  }
0x62: {  	_ =	shalt  }
0x63: {  	_ =	shalt  }
0x64: {  	_ =	shalt  }
0x65: {  	_ =	shalt  }
0x66: {  	_ =	shalt  }
0x67: {  	_ =	shalt  }
0x68: {  	_ =	shalt  }
0x69: {  	_ =	shalt  }
0x6a: {  	_ =	shalt  }
0x6b: {  	_ =	shalt  }
0x6c: {  	_ =	shalt  }
0x6d: {  	_ =	shalt  }
0x6e: {  	_ =	shalt  }
0x6f: {  	_ =	shalt  }
0x70: {  	_ =	shalt  }
0x71: {  	_ =	shalt  }
0x72: {  	_ =	shalt  }
0x73: {  	_ =	shalt  }
0x74: {  	_ =	shalt  }
0x75: {  	_ =	shalt  }
0x76: {  	_ =	shalt  }
0x77: {  	_ =	shalt  }
0x78: {  	_ =	shalt  }
0x79: {  	_ =	shalt  }
0x7a: {  	_ =	shalt  }
0x7b: {  	_ =	shalt  }
0x7c: {  	_ =	shalt  }
0x7d: {  	_ =	shalt  }
0x7e: {  	_ =	shalt  }
0x7f: {  	_ =	shalt  }
0x80: {  	_ =	shalt  }
0x81: {  	_ =	shalt  }
0x82: {  	_ =	shalt  }
0x83: {  	_ =	shalt  }
0x84: {  	_ =	shalt  }
0x85: {  	_ =	shalt  }
0x86: {  	_ =	shalt  }
0x87: {  	_ =	shalt  }
.Lfunc_end0:
.L_simem_size_0:
called_computation_lowered:
.L_overlay_start_0:
0x88: {  	s2 =	sld [smem:$0x3FD9]  }
0x89: {  	s3 =	sld [smem:$0x3FFE];
	_ =	sdelay $0x1  }
0x8a: {  	s1 =	srdreg.scid  }
0x8b: {  	s0 =	sand.u32 $0x1, s1  }
0x8c: {  	s18 =	sshll.u32 s0, $0xA;
	s2 =	sadd.s32 s3, s2  }
0x8d: {  	s2 =	sadd.s32 s2, s18  }
0x8e: {  	[smem:$0x3FC7] =	sst s2  }
0x8f: {  	_ = 	snop  }
0x90: {  	s2 =	sld [smem:$0x3FC9]  }
0x91: {  	s19 =	sld [smem:$0x3FD0];
	(tm) =	ssettm $0x1  }
0x92: {  	s4 =	sld [smem:$0x3FFB];
	_ =	sdelay $0x3  }
0x93: {  	_ =	strace s4  }
0x94: {  	s4 =	sld [smem:$0x3FFC];
	_ =	sdelay $0x3  }
0x95: {  	_ =	strace s4  }
0x96: {  	s4 =	sld [smem:$0x3FFD];
	_ =	sdelay $0x3  }
0x97: {  	_ =	strace s4  }
0x98: {  	_ =	strace $0x8FFFFFFF  }
0x99: {  	s20 =	sld [smem:$0x3FDB];
	_ =	sdelay $0x1  }
0x9a: {  	s5 =	simm.s32 $_scs_section_size  }
0x9b: {  	s6 =	simm.s32 $_size__tile_overlayer_lowered;
	s7 =	simm.s32 $_tile_overlayer_lowered  }
0x9c: {  	s23 =	simm.s32 $0x1BFF;
	s22 =	sshll.u32 s7, $0x1;
	s4 =	sadd.s32 s5, s20  }
0x9d: {  	s8 =	simm.s32 $0x0;
	s21 =	sshll.u32 s6, $0x1;
	s6 =	sadd.s32 s22, s4  }
0x9e: {  	[timem:s8], [sflag:s23] =	dma.local [hbm:s6], s21  }
0x9f: {  	_ =	swait.ge [sflag:s23], s21  }
0xa0: {  	s5 =	ssub.s32 $0x0, s21;
	[sflag:s23] =	ssyncset.done $0x0  }
0xa1: {  	[sflag:s23] =	ssyncadd.s32 s5;
	_ =	sdelay $0x1  }
0xa2: {  	s24 =	simm.s32 $0x1B8B  }
0xa3: {  	_ =	swait.ge [sflag:s24], $0x1  }
0xa4: {  	[sflag:s24] =	ssyncset.done $0x0  }
0xa5: {  	s25 =	simm.s32 $0x1B8E;
	[sflag:s24] =	ssyncadd.s32 $0xFFFFFFFF  }
0xa6: {  	s26 =	simm.s32 $execute0_lowered;
	[smem:$0x3FD2] =	sst s25  }
0xa7: {  	s5 =	sshll.u32 s26, $0x1;
	_ =	strace $0x80000046;
	[dreg:$0x1] =	wrdreg $0xFFFFFFFF  }
0xa8: {  	s28 =	simm.s32 $_size_execute0_lowered;
	s4 =	sadd.s32 s4, s5;
	[dreg:$0x0] =	wrdreg $0x0  }
0xa9: {  	s5 =	sshll.u32 s28, $0x1;
	[dreg:$0x2] =	wrdreg s4  }
0xaa: {  	[dreg:$0x3] =	wrdreg s5  }
0xab: {  	[dreg:$0x4] =	wrdreg $0xC0  }
0xac: {  	_ =	task [dreg:s8], $0x5FFFF  }
0xad: {  	[dreg:$0x1] =	wrdreg $0xFFFFFFFF  }
0xae: {  	[dreg:$0x0] =	wrdreg $0x60  }
0xaf: {  	[dreg:$0x2] =	wrdreg s2  }
0xb0: {  	[dreg:$0x3] =	wrdreg s19  }
0xb1: {  	[dreg:$0x4] =	wrdreg $0x9  }
0xb2: {  	_ =	task.clear_ibuf [dreg:s8], $0x5FFFF;
	_ =	strace $0x90000046  }
0xb3: {  	s29 =	simm.s32 $0x9;
	_ =	strace $0x80000048  }
0xb4: {  	_ =	swait.ge [sflag:s29], $0x1  }
0xb5: {  	[sflag:s29] =	ssyncadd.s32 $0xFFFFFFFF  }
0xb6: {  	_ =	strace $0x90000048  }
0xb7: {  	_ =	sfence  }
0xb8: {  	s30 =	sld [smem:$0x0];
	_ =	sdelay $0x2  }
0xb9: {  	s31 =	sshll.u32 s1, $0xD;
	s1 =	sshrl.u32 s1, $0x2  }
0xba: {  	s3 =	sand.u32 $0x4000, s31;
	s1 =	sadd.s32 s1, s30  }
0xbb: {  	s0 =	sor.u32 s3, s0;
	s1 =	sshll.u32 s1, $0x11  }
0xbc: {  	s0 =	sor.u32 s1, s0  }
0xbd: {  	s0 =	sadd.s32 $0x8F2B, s0  }
0xbe: {  	[sflag:s0] =	ssyncadd.remote.s32 $0x1  }
0xbf: {  	_ =	sfence.sel $0xFFFF  }
0xc0: {  	[dreg:$0x0] =	wrdreg $0xFFFFFFFF;
	(pc) =	sbr.abs _section_cstart, $3  }
0xc1: {  	[dreg:$0x1] =	wrdreg $0xFFFFFFFF  }
0xc2: {  	_ =	task.clear_ibuf [dreg:s8], $0x2FFFF;
	_ =	strace $0x9FFFFFFF  }
0xc3: {  	(tm) =	ssettm $0x7FFFFFFF  }
tec
execute0_lowered:
.L_overlay_start_1:
0x0: {  	(tag) =	ssettag $0x1  }
0x1: {  	s1 =	srdreg.scid;
	s4 =	rddreg [dreg:$0x0]  }
0x2: {  	s0 =	stileid.u32;
	s5 =	rddreg [dreg:$0x1]  }
0x3: {  	s2 =	simm.s32 $0x0;
	s3 =	sand.u32 $0x1, s1;
	s31 =	sshll.u32 s0, $0x1  }
0x4: {  	s10 =	simm.s32 $0x1;
	s11 =	simm.s32 $0x800;
	s6 =	sor.u32 s3, s31  }
0x5: {  	s12 =	simm.s32 $0xB00;
	s1 =	rddreg [dreg:$0x2];
	s7 =	smul.u32 $0x2710, s6  }
0x6: {  	s13 =	simm.s32 $0x0;
	[smem:$0x7FF] =	sst s2;
	s3 =	ssub.s32 $0x2, s3  }
0x7: {  	s6 =	smul.u32 $0x6, s6;
	s8 =	sshrl.u32 s3, $0x1;
	s7 =	sshrl.u32 s7, $0x3  }
0x8: {  	_ =	strace $0x80000047;
	s8 =	ssub.s32 s3, s8;
	s4 =	sadd.s32 s4, s7  }
0x9: {  	v1 =	vlaneseq.u32;
	s3 =	sadd.s32 s5, s6;
	s5 =	smax.u32 s8, $0x1;
	s6 =	sadd.s32 $0xFA, s4  }
0xa: {  	v0 =	vimm.s32 $0x0;
	v2 =	vimm.s32 $0x1;
	v1 =	vmul.u32 $0x30, v1;
	s7 =	sadd.s32 $0x1F4, s4;
	s8 =	sadd.s32 $0x2EE, s4;
	s9 =	sadd.s32 $0x3E8, s4  }
.LBB2_1:
0xb: {  	[tilespmem:$0x800] =	vst v0  }
0xc: {  	[tilespmem:$0x810] =	vst v0  }
0xd: {  	[tilespmem:$0x820] =	vst v0  }
0xe: {  	[tilespmem:$0x830] =	vst v0  }
0xf: {  	[tilespmem:$0x840] =	vst v0  }
0x10: {  	[tilespmem:$0x850] =	vst v0  }
0x11: {  	[tilespmem:$0x860] =	vst v0  }
0x12: {  	[tilespmem:$0x870] =	vst v0  }
0x13: {  	[tilespmem:$0x880] =	vst v0  }
0x14: {  	[tilespmem:$0x890] =	vst v0  }
0x15: {  	[tilespmem:$0x8A0] =	vst v0  }
0x16: {  	[tilespmem:$0x8B0] =	vst v0  }
0x17: {  	[tilespmem:$0x8C0] =	vst v0  }
0x18: {  	[tilespmem:$0x8D0] =	vst v0  }
0x19: {  	[tilespmem:$0x8E0] =	vst v0  }
0x1a: {  	[tilespmem:$0x8F0] =	vst v0  }
0x1b: {  	[tilespmem:$0x900] =	vst v0  }
0x1c: {  	[tilespmem:$0x910] =	vst v0  }
0x1d: {  	[tilespmem:$0x920] =	vst v0  }
0x1e: {  	[tilespmem:$0x930] =	vst v0  }
0x1f: {  	[tilespmem:$0x940] =	vst v0  }
0x20: {  	[tilespmem:$0x950] =	vst v0  }
0x21: {  	[tilespmem:$0x960] =	vst v0  }
0x22: {  	[tilespmem:$0x970] =	vst v0  }
0x23: {  	[tilespmem:$0x980] =	vst v0  }
0x24: {  	[tilespmem:$0x990] =	vst v0  }
0x25: {  	[tilespmem:$0x9A0] =	vst v0  }
0x26: {  	[tilespmem:$0x9B0] =	vst v0  }
0x27: {  	[tilespmem:$0x9C0] =	vst v0  }
0x28: {  	[tilespmem:$0x9D0] =	vst v0  }
0x29: {  	[tilespmem:$0x9E0] =	vst v0  }
0x2a: {  	[tilespmem:$0x9F0] =	vst v0  }
0x2b: {  	[tilespmem:$0xA00] =	vst v0  }
0x2c: {  	[tilespmem:$0xA10] =	vst v0  }
0x2d: {  	[tilespmem:$0xA20] =	vst v0  }
0x2e: {  	[tilespmem:$0xA30] =	vst v0  }
0x2f: {  	[tilespmem:$0xA40] =	vst v0  }
0x30: {  	[tilespmem:$0xA50] =	vst v0  }
0x31: {  	[tilespmem:$0xA60] =	vst v0  }
0x32: {  	[tilespmem:$0xA70] =	vst v0  }
0x33: {  	[tilespmem:$0xA80] =	vst v0  }
0x34: {  	[tilespmem:$0xA90] =	vst v0  }
0x35: {  	[tilespmem:$0xAA0] =	vst v0  }
0x36: {  	[tilespmem:$0xAB0] =	vst v0  }
0x37: {  	[tilespmem:$0xAC0] =	vst v0  }
0x38: {  	[tilespmem:$0xAD0] =	vst v0  }
0x39: {  	[tilespmem:$0xAE0] =	vst v0  }
0x3a: {  	[tilespmem:$0xAF0] =	vst v0  }
0x3b: {  	[tilespmem:s2], [sflag:$0x1] =	stream.linear.gather [hbm4b:s4+s2], $0x7D0, $0x38;
	[tilespmem:$0xB80] =	vst v63  }
0x3c: {  	_ =	swait.ge [sflag:s10], $0x7D0  }
0x3d: {  	[sflag:s10] =	ssyncset.done $0x0  }
0x3e: {  	s15 =	simm.s32 $0x0;
	s14 =	simm.s32 $0x40;
	[sflag:s10] =	ssyncadd.s32 $0xFFFFF830  }
.LBB2_2:
0x3f: {  	p0 =	sne.s32 s14, $0x1F00;
	v3 =	vld [tilespmem:s15+$0x0];
	_ =	sdelay $0x4  }
0x40: {  	v3 =	vshra.s32 v3, $0xD  }
0x41: {  	v3 =	vadd.s32 v1, v3  }
.Ltmp0:
0x42: {  	(pc) =	sbr.rel @p0 .LBB2_2-.Ltmp0, $2  }
0x43: {  	_ =	sdelay $0x2  }
0x44: {  	s15 =	sshra.s32 s14, $0x2;
	s14 =	sadd.s32 $0x40, s14;
	[tilespmem:v3+s11+$0x0] =	vst.idx.add.s32.msk $0xffff, v2  }
0x45: {  	v3 =	vld [tilespmem:s15+$0x0];
	_ =	sdelay $0x4  }
0x46: {  	v3 =	vshra.s32 v3, $0xD  }
0x47: {  	v3 =	vadd.s32 v1, v3;
	_ =	sdelay $0x4  }
0x48: {  	s14 =	simm.s32 $0x0;
	[tilespmem:v3+s11+$0x0] =	vst.idx.add.s32.msk $0xffff, v2  }
0x49: {  	[tilespmem:s14], [sflag:$0x1] =	stream.linear.gather [hbm4b:s6+s14], $0x7D0, $0x38;
	[tilespmem:$0xB80] =	vst v63  }
0x4a: {  	_ =	swait.ge [sflag:s10], $0x7D0  }
0x4b: {  	[sflag:s10] =	ssyncset.done $0x0  }
0x4c: {  	s15 =	simm.s32 $0x0;
	s14 =	simm.s32 $0x40;
	[sflag:s10] =	ssyncadd.s32 $0xFFFFF830  }
.LBB2_4:
0x4d: {  	p0 =	sne.s32 s14, $0x1F00;
	v3 =	vld [tilespmem:s15+$0x0];
	_ =	sdelay $0x4  }
0x4e: {  	v3 =	vshra.s32 v3, $0xD  }
0x4f: {  	v3 =	vadd.s32 v1, v3  }
.Ltmp1:
0x50: {  	(pc) =	sbr.rel @p0 .LBB2_4-.Ltmp1, $2  }
0x51: {  	_ =	sdelay $0x2  }
0x52: {  	s15 =	sshra.s32 s14, $0x2;
	s14 =	sadd.s32 $0x40, s14;
	[tilespmem:v3+s11+$0x0] =	vst.idx.add.s32.msk $0xffff, v2  }
0x53: {  	v3 =	vld [tilespmem:s15+$0x0];
	_ =	sdelay $0x4  }
0x54: {  	v3 =	vshra.s32 v3, $0xD  }
0x55: {  	v3 =	vadd.s32 v1, v3;
	_ =	sdelay $0x4  }
0x56: {  	s14 =	simm.s32 $0x0;
	[tilespmem:v3+s11+$0x0] =	vst.idx.add.s32.msk $0xffff, v2  }
0x57: {  	[tilespmem:s14], [sflag:$0x1] =	stream.linear.gather [hbm4b:s7+s14], $0x7D0, $0x38;
	[tilespmem:$0xB80] =	vst v63  }
0x58: {  	_ =	swait.ge [sflag:s10], $0x7D0  }
0x59: {  	[sflag:s10] =	ssyncset.done $0x0  }
0x5a: {  	s15 =	simm.s32 $0x0;
	s14 =	simm.s32 $0x40;
	[sflag:s10] =	ssyncadd.s32 $0xFFFFF830  }
.LBB2_6:
0x5b: {  	p0 =	sne.s32 s14, $0x1F00;
	v3 =	vld [tilespmem:s15+$0x0];
	_ =	sdelay $0x4  }
0x5c: {  	v3 =	vshra.s32 v3, $0xD  }
0x5d: {  	v3 =	vadd.s32 v1, v3  }
.Ltmp2:
0x5e: {  	(pc) =	sbr.rel @p0 .LBB2_6-.Ltmp2, $2  }
0x5f: {  	_ =	sdelay $0x2  }
0x60: {  	s15 =	sshra.s32 s14, $0x2;
	s14 =	sadd.s32 $0x40, s14;
	[tilespmem:v3+s11+$0x0] =	vst.idx.add.s32.msk $0xffff, v2  }
0x61: {  	v3 =	vld [tilespmem:s15+$0x0];
	_ =	sdelay $0x4  }
0x62: {  	v3 =	vshra.s32 v3, $0xD  }
0x63: {  	v3 =	vadd.s32 v1, v3;
	_ =	sdelay $0x4  }
0x64: {  	s14 =	simm.s32 $0x0;
	[tilespmem:v3+s11+$0x0] =	vst.idx.add.s32.msk $0xffff, v2  }
0x65: {  	[tilespmem:s14], [sflag:$0x1] =	stream.linear.gather [hbm4b:s8+s14], $0x7D0, $0x38;
	[tilespmem:$0xB80] =	vst v63  }
0x66: {  	_ =	swait.ge [sflag:s10], $0x7D0  }
0x67: {  	[sflag:s10] =	ssyncset.done $0x0  }
0x68: {  	s15 =	simm.s32 $0x0;
	s14 =	simm.s32 $0x40;
	[sflag:s10] =	ssyncadd.s32 $0xFFFFF830  }
.LBB2_8:
0x69: {  	p0 =	sne.s32 s14, $0x1F00;
	v3 =	vld [tilespmem:s15+$0x0];
	_ =	sdelay $0x4  }
0x6a: {  	v3 =	vshra.s32 v3, $0xD  }
0x6b: {  	v3 =	vadd.s32 v1, v3  }
.Ltmp3:
0x6c: {  	(pc) =	sbr.rel @p0 .LBB2_8-.Ltmp3, $2  }
0x6d: {  	_ =	sdelay $0x2  }
0x6e: {  	s15 =	sshra.s32 s14, $0x2;
	s14 =	sadd.s32 $0x40, s14;
	[tilespmem:v3+s11+$0x0] =	vst.idx.add.s32.msk $0xffff, v2  }
0x6f: {  	v3 =	vld [tilespmem:s15+$0x0];
	_ =	sdelay $0x4  }
0x70: {  	v3 =	vshra.s32 v3, $0xD  }
0x71: {  	v3 =	vadd.s32 v1, v3;
	_ =	sdelay $0x4  }
0x72: {  	s14 =	simm.s32 $0x0;
	[tilespmem:v3+s11+$0x0] =	vst.idx.add.s32.msk $0xffff, v2  }
0x73: {  	[tilespmem:s14], [sflag:$0x1] =	stream.linear.gather [hbm4b:s9+s14], $0x7D0, $0x38;
	[tilespmem:$0xB80] =	vst v63  }
0x74: {  	_ =	swait.ge [sflag:s10], $0x7D0  }
0x75: {  	[sflag:s10] =	ssyncset.done $0x0  }
0x76: {  	s15 =	simm.s32 $0x0;
	s14 =	simm.s32 $0x40;
	[sflag:s10] =	ssyncadd.s32 $0xFFFFF830  }
.LBB2_10:
0x77: {  	p0 =	sne.s32 s14, $0x1F00;
	v3 =	vld [tilespmem:s15+$0x0];
	_ =	sdelay $0x4  }
0x78: {  	v3 =	vshra.s32 v3, $0xD  }
0x79: {  	v3 =	vadd.s32 v1, v3  }
.Ltmp4:
0x7a: {  	(pc) =	sbr.rel @p0 .LBB2_10-.Ltmp4, $2  }
0x7b: {  	_ =	sdelay $0x2  }
0x7c: {  	s15 =	sshra.s32 s14, $0x2;
	s14 =	sadd.s32 $0x40, s14;
	[tilespmem:v3+s11+$0x0] =	vst.idx.add.s32.msk $0xffff, v2  }
0x7d: {  	v3 =	vld [tilespmem:s15+$0x0];
	_ =	sdelay $0x4  }
0x7e: {  	v3 =	vshra.s32 v3, $0xD  }
0x7f: {  	v3 =	vadd.s32 v1, v3;
	_ =	sdelay $0x4  }
0x80: {  	[tilespmem:v3+s11+$0x0] =	vst.idx.add.s32.msk $0xffff, v2  }
0x81: {  	v3 =	vld [tilespmem:$0x800]  }
0x82: {  	v4 =	vld [tilespmem:$0x830]  }
0x83: {  	v5 =	vld [tilespmem:$0x860]  }
0x84: {  	v6 =	vld [tilespmem:$0x890]  }
0x85: {  	v7 =	vld [tilespmem:$0x8C0]  }
0x86: {  	v8 =	vld [tilespmem:$0x8F0]  }
0x87: {  	v9 =	vld [tilespmem:$0x920]  }
0x88: {  	v10 =	vld [tilespmem:$0x950]  }
0x89: {  	v11 =	vld [tilespmem:$0x980]  }
0x8a: {  	v12 =	vld [tilespmem:$0x9B0]  }
0x8b: {  	v13 =	vld [tilespmem:$0x9E0]  }
0x8c: {  	v14 =	vld [tilespmem:$0xA10]  }
0x8d: {  	v15 =	vld [tilespmem:$0xA40]  }
0x8e: {  	v16 =	vld [tilespmem:$0xA70]  }
0x8f: {  	v17 =	vld [tilespmem:$0xAA0]  }
0x90: {  	v18 =	vld [tilespmem:$0xAD0]  }
0x91: {  	v19 =	vld [tilespmem:$0x810]  }
0x92: {  	v20 =	vld [tilespmem:$0x840]  }
0x93: {  	v21 =	vld [tilespmem:$0x870]  }
0x94: {  	v22 =	vld [tilespmem:$0x8A0]  }
0x95: {  	v23 =	vld [tilespmem:$0x8D0]  }
0x96: {  	v24 =	vld [tilespmem:$0x900]  }
0x97: {  	v25 =	vld [tilespmem:$0x930]  }
0x98: {  	v26 =	vld [tilespmem:$0x960]  }
0x99: {  	v27 =	vld [tilespmem:$0x990]  }
0x9a: {  	v28 =	vld [tilespmem:$0x9C0]  }
0x9b: {  	v29 =	vld [tilespmem:$0x9F0]  }
0x9c: {  	v30 =	vld [tilespmem:$0xA20]  }
0x9d: {  	v31 =	vld [tilespmem:$0xA50]  }
0x9e: {  	v32 =	vld [tilespmem:$0xA80]  }
0x9f: {  	v33 =	vld [tilespmem:$0xAB0]  }
0xa0: {  	v34 =	vld [tilespmem:$0xAE0]  }
0xa1: {  	v35 =	vld [tilespmem:$0x820]  }
0xa2: {  	v36 =	vld [tilespmem:$0x850]  }
0xa3: {  	v37 =	vld [tilespmem:$0x880]  }
0xa4: {  	v38 =	vld [tilespmem:$0x8B0]  }
0xa5: {  	v50 =	vld [tilespmem:$0x8E0];
	v3 =	vadd.s32 v3, v4  }
0xa6: {  	v52 =	vld [tilespmem:$0x910];
	v51 =	vadd.s32 v19, v20;
	v3 =	vadd.s32 v5, v3  }
0xa7: {  	v54 =	vld [tilespmem:$0x940];
	v53 =	vadd.s32 v35, v36;
	v5 =	vadd.s32 v21, v51;
	v3 =	vadd.s32 v6, v3  }
0xa8: {  	v55 =	vld [tilespmem:$0x970];
	v5 =	vadd.s32 v22, v5;
	v6 =	vadd.s32 v37, v53;
	v3 =	vadd.s32 v7, v3  }
0xa9: {  	v56 =	vld [tilespmem:$0x9A0];
	v5 =	vadd.s32 v23, v5;
	v6 =	vadd.s32 v38, v6;
	v3 =	vadd.s32 v8, v3  }
0xaa: {  	v57 =	vld [tilespmem:$0x9D0];
	v5 =	vadd.s32 v24, v5;
	v4 =	vadd.s32 v50, v6;
	v3 =	vadd.s32 v9, v3  }
0xab: {  	v58 =	vld [tilespmem:$0xA00];
	v5 =	vadd.s32 v25, v5;
	v4 =	vadd.s32 v52, v4;
	v3 =	vadd.s32 v10, v3  }
0xac: {  	v59 =	vld [tilespmem:$0xA30];
	v5 =	vadd.s32 v26, v5;
	v4 =	vadd.s32 v54, v4;
	v3 =	vadd.s32 v11, v3  }
0xad: {  	v60 =	vld [tilespmem:$0xA60];
	v5 =	vadd.s32 v27, v5;
	v4 =	vadd.s32 v55, v4;
	v3 =	vadd.s32 v12, v3  }
0xae: {  	v61 =	vld [tilespmem:$0xA90];
	v5 =	vadd.s32 v28, v5;
	v4 =	vadd.s32 v56, v4;
	v3 =	vadd.s32 v13, v3  }
0xaf: {  	v62 =	vld [tilespmem:$0xAC0];
	v5 =	vadd.s32 v29, v5;
	v4 =	vadd.s32 v57, v4;
	v3 =	vadd.s32 v14, v3  }
0xb0: {  	v63 =	vld [tilespmem:$0xAF0];
	v5 =	vadd.s32 v30, v5;
	v4 =	vadd.s32 v58, v4;
	v3 =	vadd.s32 v15, v3  }
0xb1: {  	v5 =	vadd.s32 v31, v5;
	v4 =	vadd.s32 v59, v4;
	v3 =	vadd.s32 v16, v3  }
0xb2: {  	v5 =	vadd.s32 v32, v5;
	v4 =	vadd.s32 v60, v4;
	v3 =	vadd.s32 v17, v3  }
0xb3: {  	v5 =	vadd.s32 v33, v5;
	v4 =	vadd.s32 v61, v4;
	v3 =	vadd.s32 v18, v3  }
0xb4: {  	s13 =	sadd.s32 $0x1, s13;
	v4 =	vadd.s32 v62, v4;
	[tilespmem:$0xB00] =	vst v3;
	v3 =	vadd.s32 v34, v5  }
0xb5: {  	p0 =	sne.s32 s13, s5;
	[tilespmem:$0xB10] =	vst v3;
	v3 =	vadd.s32 v63, v4  }
.Ltmp5:
0xb6: {  	[tilespmem:$0xB20] =	vst v3;
	(pc) =	sbr.rel @p0 .LBB2_1-.Ltmp5, $4  }
0xb7: {  	[hbm4b:s3+s2] =	stream.linear.scatter [tilespmem:s12], [sflag:$0x1], $0x30, $0x38;
	[tilespmem:$0xB80] =	vst v63  }
0xb8: {  	_ =	swait.ge [sflag:s10], $0x30  }
0xb9: {  	[sflag:s10] =	ssyncset.done $0x0  }
0xba: {  	[sflag:s10] =	ssyncadd.s32 $0xFFFFFFD0  }
0xbb: {  	_ =	sfence.sel $0x180000  }
0xbc: {  	[bflag:$0x0] =	sbarrier.arrive $0xFFFF  }
0xbd: {  	p0 =	sne.s32 s0, $0x0;
	_ =	strace $0x90000047  }
0xbe: {  	s0 =	sadd.s32 @!p0 $0x100000, s1;
	[bflag:$0x2] =	sbarrier.arrive $0xFFFF  }
0xbf: {  	[sflag:s0] =	ssyncadd.tile.s32 @!p0 $0x1;
	_ =	shalt  }
.Lfunc_end2:
_tile_overlayer_lowered:
.L_overlay_start_2:
0xc0: {  	(tag) =	ssettag $0x2  }
0xc1: {  	s0 =	rddreg [dreg:$0x0];
	s2 =	stileid.u32  }
0xc2: {  	s1 =	rddreg [dreg:$0x1];
	p0 =	sne.s32 s2, $0x0  }
0xc3: {  	s3 =	rddreg [dreg:$0x2];
	[bflag:$0x3] =	sbarrier.arrive $0xFFFF;
	s2 =	simm.s32 @!p0 $0x1C01  }
0xc4: {  	[timem:s3], [sflag:s2] =	dma.local @!p0 [hbm:s0], s1  }
0xc5: {  	s0 =	simm.s32 @!p0 $0x1  }
0xc6: {  	_ =	swait.ge @!p0 [sflag:s0], s1  }
0xc7: {  	s1 =	ssub.s32 @!p0 $0x0, s1;
	[sflag:s0] =	ssyncset.done @!p0 $0x0  }
0xc8: {  	[sflag:s0] =	ssyncadd.s32 @!p0 s1  }
0xc9: {  	[bflag:$0x3] =	sbarrier.arrive $0xFFFF  }
0xca: {  	_ =	shalt  }

</sc_bundles>
